<compile_context>
chip_gen: v7x
topology: tpu7x:2x2x1
jax: 0.10.2.dev20260603
libtpu: 0.0.44.dev20260713+nightly
codegen_flags: <defaults>
</compile_context>

<pallas_src>
import functools

import jax
import jax.numpy as jnp
from jax import lax
from jax.experimental import pallas as pl
from jax.experimental.pallas import tpu as pltpu
from jax.experimental.pallas import tpu_sc as plsc

N, K, T, H = 32, 16, 128, 1024
NEGINF = -1e20
NC, NS, L = 2, 16, 16

HB = 128
NHB = H // HB

GROUPS = (64, 56, 8)
OFFS = (0, 64, 120)


def _score_body(qcat_ref, wcqk_ref, bcqk_ref, wk_ref, bk_ref, ckm_ref,
                pool1_ref, score_ref, cq_ref):
    j = pl.program_id(0)

    @pl.when(j < NHB)
    def _():
        cq_ref[:, pl.ds(j * HB, HB)] = lax.dot_general(
            qcat_ref[...].astype(jnp.bfloat16),
            wcqk_ref[...].astype(jnp.bfloat16), (((1,), (1,)), ((), ())),
            preferred_element_type=jnp.float32) + bcqk_ref[...]

    @pl.when(j >= NHB)
    def _():
        jj = j - NHB
        cq = cq_ref[...]
        t = jnp.dot(cq.astype(jnp.bfloat16),
                    wk_ref[...].astype(jnp.bfloat16),
                    preferred_element_type=jnp.float32)
        part = jnp.sum(pool1_ref[...] * t[:, None, :], axis=2)

        @pl.when(jj == 0)
        def _():
            bias = jnp.sum(cq * bk_ref[...], axis=1, keepdims=True)
            score_ref[...] = part + bias

        @pl.when(jj > 0)
        def _():
            score_ref[...] += part

        @pl.when(jj == NHB - 1)
        def _():
            score_ref[...] = jnp.where(ckm_ref[...] != 0, score_ref[...],
                                       NEGINF)


def _gather_body(rows_hbm, pool0_hbm, pool1_hbm, mask_hbm, pidx_hbm,
                 enc_hbm, use_hbm, masko_hbm, pidxo_hbm,
                 rows_v, buf0, buf1, buf_use, buf_mask, buf_pidx,
                 sin0, sin1, sin2, sout0, sout1, sout2, ssm, ssm2):
    w = lax.axis_index("s") * NC + lax.axis_index("c")
    pltpu.sync_copy(rows_hbm, rows_v)
    splat = plsc.load_gather(rows_v, [jnp.full((L,), w, jnp.int32)])
    row = jnp.max(splat)

    sm_in = [
        pltpu.make_async_copy(pool1_hbm.at[pl.ds(row, 1)], buf_use, ssm),
        pltpu.make_async_copy(mask_hbm.at[pl.ds(row, 1)], buf_mask, ssm),
        pltpu.make_async_copy(pidx_hbm.at[pl.ds(row, 1)], buf_pidx, ssm),
    ]
    sm_out = [
        pltpu.make_async_copy(buf_use, use_hbm.at[pl.ds(w, 1)], ssm2),
        pltpu.make_async_copy(buf_mask, masko_hbm.at[pl.ds(w, 1)], ssm2),
        pltpu.make_async_copy(buf_pidx, pidxo_hbm.at[pl.ds(w, 1)], ssm2),
    ]
    for cp in sm_in:
        cp.start()

    bufs = (buf0, buf1, buf0.at[pl.ds(0, GROUPS[2])])
    sins, souts = (sin0, sin1, sin2), (sout0, sout1, sout2)
    ins = [pltpu.make_async_copy(
        pool0_hbm.at[pl.ds(row * T + OFFS[g], GROUPS[g])],
        bufs[g], sins[g]) for g in range(3)]
    outs = [pltpu.make_async_copy(
        bufs[g], enc_hbm.at[pl.ds(w * T + OFFS[g], GROUPS[g])],
        souts[g]) for g in range(3)]
    ins[0].start()
    ins[1].start()
    ins[0].wait()
    outs[0].start()
    ins[1].wait()
    outs[1].start()
    outs[0].wait()
    ins[2].start()
    ins[2].wait()
    outs[2].start()
    for cp in sm_in:
        cp.wait()
    for cp in sm_out:
        cp.start()
    outs[1].wait()
    outs[2].wait()
    for cp in sm_out:
        cp.wait()


def kernel(contexts_encoded_1, tracked_knowledge_use,
           knowledge_shifting_pool_encoded_0, knowledge_shifting_pool_encoded_1,
           knowledge_shifting_pool_mask, shifting_ck_mask,
           knowledge_shifting_label, knowledge_shifting_pool,
           W_cqk, b_cqk, W_k, b_k):
    ids = knowledge_shifting_label.astype(jnp.int32)
    rows = jnp.arange(N, dtype=jnp.int32) * K + ids

    qcat = jnp.concatenate(
        [contexts_encoded_1[:, 2, :], tracked_knowledge_use], axis=1)
    ckm = shifting_ck_mask.astype(jnp.int32)

    score = pl.pallas_call(
        _score_body,
        grid=(2 * NHB,),
        in_specs=[
            pl.BlockSpec((N, 2 * H), lambda j: (0, 0)),
            pl.BlockSpec((HB, 2 * H), lambda j: (jnp.minimum(j, NHB - 1), 0)),
            pl.BlockSpec((1, HB), lambda j: (0, jnp.minimum(j, NHB - 1))),
            pl.BlockSpec((H, HB), lambda j: (0, jnp.maximum(j - NHB, 0))),
            pl.BlockSpec((1, H), lambda j: (0, 0)),
            pl.BlockSpec((N, K), lambda j: (0, 0)),
            pl.BlockSpec((N, K, HB), lambda j: (0, 0, jnp.maximum(j - NHB, 0))),
        ],
        out_specs=pl.BlockSpec((N, K), lambda j: (0, 0)),
        scratch_shapes=[pltpu.VMEM((N, H), jnp.float32)],
        out_shape=jax.ShapeDtypeStruct((N, K), jnp.float32),
    )(qcat, W_cqk, b_cqk.reshape(1, H), W_k, b_k.reshape(1, H), ckm,
      knowledge_shifting_pool_encoded_1)

    mesh = plsc.VectorSubcoreMesh(core_axis_name="c", subcore_axis_name="s")
    gather = functools.partial(
        pl.kernel,
        out_type=[
            jax.ShapeDtypeStruct((N * T, H), jnp.float32),
            jax.ShapeDtypeStruct((N, H), jnp.float32),
            jax.ShapeDtypeStruct((N, T), jnp.bool_),
            jax.ShapeDtypeStruct((N, T), jnp.int32),
        ],
        mesh=mesh,
        scratch_types=[
            pltpu.VMEM((N,), jnp.int32),
            pltpu.VMEM((GROUPS[0], H), jnp.float32),
            pltpu.VMEM((GROUPS[1], H), jnp.float32),
            pltpu.VMEM((1, H), jnp.float32),
            pltpu.VMEM((1, T), jnp.bool_),
            pltpu.VMEM((1, T), jnp.int32),
            pltpu.SemaphoreType.DMA,
            pltpu.SemaphoreType.DMA,
            pltpu.SemaphoreType.DMA,
            pltpu.SemaphoreType.DMA,
            pltpu.SemaphoreType.DMA,
            pltpu.SemaphoreType.DMA,
            pltpu.SemaphoreType.DMA,
            pltpu.SemaphoreType.DMA,
        ],
        compiler_params=pltpu.CompilerParams(needs_layout_passes=False),
    )(_gather_body)
    enc, use, masko, pidxo = gather(
        rows,
        knowledge_shifting_pool_encoded_0.reshape(N * K * T, H),
        knowledge_shifting_pool_encoded_1.reshape(N * K, H),
        knowledge_shifting_pool_mask.reshape(N * K, T),
        knowledge_shifting_pool.reshape(N * K, T),
    )

    return (score, enc.reshape(N, T, H), masko, use,
            pidxo.astype(knowledge_shifting_pool.dtype))

# --- scband reference (transcript-rebuilt; emitter-appended) ---
"""Pipeline reference for scband-knowldge-shifter-61546881351881 (READ-ONLY COPY).

The authoritative reference and input builder live on the scoring server;
editing this copy changes nothing except your own understanding.
"""

import jax, jax.numpy as jnp
import numpy as np

N, K, T, H = 32, 16, 128, 1024
NEGINF = -1e20

def setup_inputs(seed: int = 0) -> dict:
    key = jax.random.key(seed)
    ks = jax.random.split(key, 8)
    return {
        'contexts_encoded_1': jax.random.normal(ks[0], (N, 3, H), dtype=jnp.float32),
        'tracked_knowledge_use': jax.random.normal(ks[1], (N, H), dtype=jnp.float32),
        'knowledge_shifting_pool_encoded_0': jax.random.normal(ks[2], (N, K, T, H), dtype=jnp.float32),
        'knowledge_shifting_pool_encoded_1': jax.random.normal(ks[3], (N, K, H), dtype=jnp.float32),
        'knowledge_shifting_pool_mask': jnp.ones((N, K, T), dtype=bool),
        'shifting_ck_mask': jnp.ones((N, K), dtype=bool),
        'knowledge_shifting_label': jax.random.randint(ks[4], (N,), 0, K),
        'knowledge_shifting_pool': jax.random.randint(ks[5], (N, K, T), 0, 30000),
        'W_cqk': jax.random.normal(ks[6], (H, 2 * H), dtype=jnp.float32) * 0.02,
        'b_cqk': jnp.zeros((H,), dtype=jnp.float32),
        'W_k': jax.random.normal(ks[7], (H, H), dtype=jnp.float32) * 0.02,
        'b_k': jnp.zeros((H,), dtype=jnp.float32),
    }

def reference(contexts_encoded_1, tracked_knowledge_use,
              knowledge_shifting_pool_encoded_0, knowledge_shifting_pool_encoded_1,
              knowledge_shifting_pool_mask, shifting_ck_mask,
              knowledge_shifting_label, knowledge_shifting_pool,
              W_cqk, b_cqk, W_k, b_k):
    # mode == 'train'
    query_use = contexts_encoded_1[:, 2, :]
    con_query_know_use = jnp.concatenate([query_use, tracked_knowledge_use], axis=1)
    con_query_know_use_pro = con_query_know_use @ W_cqk.T + b_cqk  # [N, H]
    pool_use_pro = knowledge_shifting_pool_encoded_1 @ W_k.T + b_k  # [N, K, H]
    # bmm([N,K,H], [N,H,1]) -> [N,K]
    score = jnp.einsum('nkh,nh->nk', pool_use_pro, con_query_know_use_pro)
    score = jnp.where(shifting_ck_mask, score, NEGINF)
    ids = knowledge_shifting_label  # train mode
    n, k, t, h = knowledge_shifting_pool_encoded_0.shape
    offsets = jnp.arange(n) * k + ids
    flat_use = knowledge_shifting_pool_encoded_1.reshape(n * k, -1)
    shifted_knowledge_use = jnp.take(flat_use, offsets, axis=0)
    shifted_knowledge_encoded = jnp.take(knowledge_shifting_pool_encoded_0.reshape(-1, t, h), offsets, axis=0)
    shifted_knowledge_mask = jnp.take(knowledge_shifting_pool_mask.reshape(-1, t), offsets, axis=0)
    shifted_knowledge_shifting_index = jnp.take(knowledge_shifting_pool.reshape(-1, t), offsets, axis=0)
    return (score, shifted_knowledge_encoded, shifted_knowledge_mask,
            shifted_knowledge_use, shifted_knowledge_shifting_index)

if __name__ == "__main__":
    import jax
    _d = setup_inputs()
    print(jax.jit(kernel)(*tuple(_d.values())))

</pallas_src>

<mosaic_0001>
#map = affine_map<(d0, d1) -> (0)>
#map1 = affine_map<(d0, d1) -> (0, 0)>
module attributes {stable_mosaic.version = 14 : i64} {
  func.func @_gather_body(%arg0: i32, %arg1: i32, %arg2: memref<32xi32, #tpu.memory_space<hbm>>, %arg3: memref<65536x1024xf32, #tpu.memory_space<hbm>>, %arg4: memref<512x1024xf32, #tpu.memory_space<hbm>>, %arg5: memref<512x128xi32, #tpu.memory_space<hbm>>, %arg6: memref<512x128xi32, #tpu.memory_space<hbm>>, %arg7: memref<4096x1024xf32, #tpu.memory_space<hbm>>, %arg8: memref<32x1024xf32, #tpu.memory_space<hbm>>, %arg9: memref<32x128xi32, #tpu.memory_space<hbm>>, %arg10: memref<32x128xi32, #tpu.memory_space<hbm>>, %arg11: memref<32xi32, #tpu.memory_space<vmem>>, %arg12: memref<64x1024xf32, #tpu.memory_space<vmem>>, %arg13: memref<56x1024xf32, #tpu.memory_space<vmem>>, %arg14: memref<1x1024xf32, #tpu.memory_space<vmem>>, %arg15: memref<1x128xi32, #tpu.memory_space<vmem>>, %arg16: memref<1x128xi32, #tpu.memory_space<vmem>>, %arg17: memref<!tpu.dma_semaphore, #tpu.memory_space<semaphore_mem>>, %arg18: memref<!tpu.dma_semaphore, #tpu.memory_space<semaphore_mem>>, %arg19: memref<!tpu.dma_semaphore, #tpu.memory_space<semaphore_mem>>, %arg20: memref<!tpu.dma_semaphore, #tpu.memory_space<semaphore_mem>>, %arg21: memref<!tpu.dma_semaphore, #tpu.memory_space<semaphore_mem>>, %arg22: memref<!tpu.dma_semaphore, #tpu.memory_space<semaphore_mem>>, %arg23: memref<!tpu.dma_semaphore, #tpu.memory_space<semaphore_mem>>, %arg24: memref<!tpu.dma_semaphore, #tpu.memory_space<semaphore_mem>>) attributes {dimension_semantics = [#tpu.dimension_semantics<core_parallel>, #tpu.dimension_semantics<subcore_parallel>], iteration_bounds = array<i64: 2, 16>, scalar_prefetch = 0 : i64, scratch_operands = 14 : i64, tpu.core_type = #tpu.core_type<sc_vector_subcore>, window_params = [{transform_indices = #map}, {transform_indices = #map1}, {transform_indices = #map1}, {transform_indices = #map1}, {transform_indices = #map1}, {transform_indices = #map1}, {transform_indices = #map1}, {transform_indices = #map1}, {transform_indices = #map1}]} {
    %mul3A = arith.constant 2 : i32
    %mul3A_0 = arith.muli %arg1, %mul3A : i32
    %add3A = arith.addi %mul3A_0, %arg0 : i32
    "tpu.region"() ({
      %run_scoped3A = tpu.sem_alloc : memref<!tpu.dma_semaphore, #tpu.memory_space<semaphore_mem>>
      tpu.enqueue_dma source(%arg2 : memref<32xi32, #tpu.memory_space<hbm>>) target(%arg11 : memref<32xi32, #tpu.memory_space<vmem>>) target_semaphore(%run_scoped3A : memref<!tpu.dma_semaphore, #tpu.memory_space<semaphore_mem>>)
      tpu.wait_dma2 semaphore(%run_scoped3A : memref<!tpu.dma_semaphore, #tpu.memory_space<semaphore_mem>>) src(%arg2 : memref<32xi32, #tpu.memory_space<hbm>>) dst(%arg11 : memref<32xi32, #tpu.memory_space<vmem>>)
      tpu.yield
    }) : () -> ()
    %broadcast_in_dim3A = vector.broadcast %add3A : i32 to vector<16xi32>
    %gather3A = tpu.vector_load_idx %arg11[%broadcast_in_dim3A] : memref<32xi32, #tpu.memory_space<vmem>>[vector<16xi32>], vector<16xi32>,
    %reduce_max3A = arith.constant true
    %reduce_max3A_1 = vector.broadcast %reduce_max3A : i1 to vector<16xi1>
    %reduce_max3A_2 = arith.constant -2147483648 : i32
    %reduce_max3A_3 = vector.broadcast %reduce_max3A_2 : i32 to vector<16xi32>
    %reduce_max3A_4 = arith.xori %gather3A, %reduce_max3A_3 : vector<16xi32>
    %reduce_max3A_5 = tpu.scan <max>, %reduce_max3A_4 masked %reduce_max3A_1 : vector<16xi32>, vector<16xi1> -> vector<16xi32>
    %reduce_max3A_6 = arith.xori %reduce_max3A_5, %reduce_max3A_3 : vector<16xi32>
    %reduce_max3A_7 = vector.extract %reduce_max3A_6[15] : i32 from vector<16xi32>
    %dma_start3A = arith.constant 0 : i32
    %dma_start3A_8 = tpu.memref_slice %arg4[%reduce_max3A_7, %dma_start3A] : memref<512x1024xf32, #tpu.memory_space<hbm>> -> memref<1x1024xf32, #tpu.memory_space<hbm>>
    %dma_start3A_9 = arith.constant 0 : i32
    %dma_start3A_10 = tpu.memref_slice %arg4[%reduce_max3A_7, %dma_start3A_9] : memref<512x1024xf32, #tpu.memory_space<hbm>> -> memref<1x1024xf32, #tpu.memory_space<hbm>>
    tpu.enqueue_dma source(%dma_start3A_10 : memref<1x1024xf32, #tpu.memory_space<hbm>>) target(%arg14 : memref<1x1024xf32, #tpu.memory_space<vmem>>) target_semaphore(%arg23 : memref<!tpu.dma_semaphore, #tpu.memory_space<semaphore_mem>>)
    %dma_start3A_11 = arith.constant 0 : i32
    %dma_start3A_12 = tpu.memref_slice %arg5[%reduce_max3A_7, %dma_start3A_11] : memref<512x128xi32, #tpu.memory_space<hbm>> -> memref<1x128xi32, #tpu.memory_space<hbm>>
    %dma_start3A_13 = arith.constant 0 : i32
    %dma_start3A_14 = tpu.memref_slice %arg5[%reduce_max3A_7, %dma_start3A_13] : memref<512x128xi32, #tpu.memory_space<hbm>> -> memref<1x128xi32, #tpu.memory_space<hbm>>
    tpu.enqueue_dma source(%dma_start3A_14 : memref<1x128xi32, #tpu.memory_space<hbm>>) target(%arg15 : memref<1x128xi32, #tpu.memory_space<vmem>>) target_semaphore(%arg23 : memref<!tpu.dma_semaphore, #tpu.memory_space<semaphore_mem>>)
    %dma_start3A_15 = arith.constant 0 : i32
    %dma_start3A_16 = tpu.memref_slice %arg6[%reduce_max3A_7, %dma_start3A_15] : memref<512x128xi32, #tpu.memory_space<hbm>> -> memref<1x128xi32, #tpu.memory_space<hbm>>
    %dma_start3A_17 = arith.constant 0 : i32
    %dma_start3A_18 = tpu.memref_slice %arg6[%reduce_max3A_7, %dma_start3A_17] : memref<512x128xi32, #tpu.memory_space<hbm>> -> memref<1x128xi32, #tpu.memory_space<hbm>>
    tpu.enqueue_dma source(%dma_start3A_18 : memref<1x128xi32, #tpu.memory_space<hbm>>) target(%arg16 : memref<1x128xi32, #tpu.memory_space<vmem>>) target_semaphore(%arg23 : memref<!tpu.dma_semaphore, #tpu.memory_space<semaphore_mem>>)
    %mul3A_19 = arith.constant 128 : i32
    %mul3A_20 = arith.muli %reduce_max3A_7, %mul3A_19 : i32
    %add3A_21 = arith.constant 0 : i32
    %add3A_22 = arith.addi %mul3A_20, %add3A_21 : i32
    %mul3A_23 = arith.constant 128 : i32
    %mul3A_24 = arith.muli %reduce_max3A_7, %mul3A_23 : i32
    %add3A_25 = arith.constant 64 : i32
    %add3A_26 = arith.addi %mul3A_24, %add3A_25 : i32
    %mul3A_27 = arith.constant 128 : i32
    %mul3A_28 = arith.muli %reduce_max3A_7, %mul3A_27 : i32
    %add3A_29 = arith.constant 120 : i32
    %add3A_30 = arith.addi %mul3A_28, %add3A_29 : i32
    %mul3A_31 = arith.constant 128 : i32
    %mul3A_32 = arith.muli %add3A, %mul3A_31 : i32
    %add3A_33 = arith.constant 0 : i32
    %add3A_34 = arith.addi %mul3A_32, %add3A_33 : i32
    %mul3A_35 = arith.constant 128 : i32
    %mul3A_36 = arith.muli %add3A, %mul3A_35 : i32
    %add3A_37 = arith.constant 64 : i32
    %add3A_38 = arith.addi %mul3A_36, %add3A_37 : i32
    %mul3A_39 = arith.constant 128 : i32
    %mul3A_40 = arith.muli %add3A, %mul3A_39 : i32
    %add3A_41 = arith.constant 120 : i32
    %add3A_42 = arith.addi %mul3A_40, %add3A_41 : i32
    %dma_start3A_43 = arith.constant 0 : i32
    %dma_start3A_44 = tpu.memref_slice %arg3[%add3A_22, %dma_start3A_43] : memref<65536x1024xf32, #tpu.memory_space<hbm>> -> memref<64x1024xf32, #tpu.memory_space<hbm>>
    %dma_start3A_45 = arith.constant 0 : i32
    %dma_start3A_46 = tpu.memref_slice %arg3[%add3A_22, %dma_start3A_45] : memref<65536x1024xf32, #tpu.memory_space<hbm>> -> memref<64x1024xf32, #tpu.memory_space<hbm>>
    tpu.enqueue_dma source(%dma_start3A_46 : memref<64x1024xf32, #tpu.memory_space<hbm>>) target(%arg12 : memref<64x1024xf32, #tpu.memory_space<vmem>>) target_semaphore(%arg17 : memref<!tpu.dma_semaphore, #tpu.memory_space<semaphore_mem>>)
    %dma_start3A_47 = arith.constant 0 : i32
    %dma_start3A_48 = tpu.memref_slice %arg3[%add3A_26, %dma_start3A_47] : memref<65536x1024xf32, #tpu.memory_space<hbm>> -> memref<56x1024xf32, #tpu.memory_space<hbm>>
    %dma_start3A_49 = arith.constant 0 : i32
    %dma_start3A_50 = tpu.memref_slice %arg3[%add3A_26, %dma_start3A_49] : memref<65536x1024xf32, #tpu.memory_space<hbm>> -> memref<56x1024xf32, #tpu.memory_space<hbm>>
    tpu.enqueue_dma source(%dma_start3A_50 : memref<56x1024xf32, #tpu.memory_space<hbm>>) target(%arg13 : memref<56x1024xf32, #tpu.memory_space<vmem>>) target_semaphore(%arg18 : memref<!tpu.dma_semaphore, #tpu.memory_space<semaphore_mem>>)
    %dma_wait3A = arith.constant 0 : i32
    %dma_wait3A_51 = tpu.memref_slice %arg3[%add3A_22, %dma_wait3A] : memref<65536x1024xf32, #tpu.memory_space<hbm>> -> memref<64x1024xf32, #tpu.memory_space<hbm>>
    %dma_wait3A_52 = arith.constant 0 : i32
    %dma_wait3A_53 = tpu.memref_slice %arg3[%add3A_22, %dma_wait3A_52] : memref<65536x1024xf32, #tpu.memory_space<hbm>> -> memref<64x1024xf32, #tpu.memory_space<hbm>>
    tpu.wait_dma2 semaphore(%arg17 : memref<!tpu.dma_semaphore, #tpu.memory_space<semaphore_mem>>) src(%dma_wait3A_53 : memref<64x1024xf32, #tpu.memory_space<hbm>>) dst(%arg12 : memref<64x1024xf32, #tpu.memory_space<vmem>>)
    %dma_start3A_54 = arith.constant 0 : i32
    %dma_start3A_55 = tpu.memref_slice %arg7[%add3A_34, %dma_start3A_54] : memref<4096x1024xf32, #tpu.memory_space<hbm>> -> memref<64x1024xf32, #tpu.memory_space<hbm>>
    %dma_start3A_56 = arith.constant 0 : i32
    %dma_start3A_57 = tpu.memref_slice %arg7[%add3A_34, %dma_start3A_56] : memref<4096x1024xf32, #tpu.memory_space<hbm>> -> memref<64x1024xf32, #tpu.memory_space<hbm>>
    tpu.enqueue_dma source(%arg12 : memref<64x1024xf32, #tpu.memory_space<vmem>>) target(%dma_start3A_57 : memref<64x1024xf32, #tpu.memory_space<hbm>>) target_semaphore(%arg20 : memref<!tpu.dma_semaphore, #tpu.memory_space<semaphore_mem>>)
    %dma_wait3A_58 = arith.constant 0 : i32
    %dma_wait3A_59 = tpu.memref_slice %arg3[%add3A_26, %dma_wait3A_58] : memref<65536x1024xf32, #tpu.memory_space<hbm>> -> memref<56x1024xf32, #tpu.memory_space<hbm>>
    %dma_wait3A_60 = arith.constant 0 : i32
    %dma_wait3A_61 = tpu.memref_slice %arg3[%add3A_26, %dma_wait3A_60] : memref<65536x1024xf32, #tpu.memory_space<hbm>> -> memref<56x1024xf32, #tpu.memory_space<hbm>>
    tpu.wait_dma2 semaphore(%arg18 : memref<!tpu.dma_semaphore, #tpu.memory_space<semaphore_mem>>) src(%dma_wait3A_61 : memref<56x1024xf32, #tpu.memory_space<hbm>>) dst(%arg13 : memref<56x1024xf32, #tpu.memory_space<vmem>>)
    %dma_start3A_62 = arith.constant 0 : i32
    %dma_start3A_63 = tpu.memref_slice %arg7[%add3A_38, %dma_start3A_62] : memref<4096x1024xf32, #tpu.memory_space<hbm>> -> memref<56x1024xf32, #tpu.memory_space<hbm>>
    %dma_start3A_64 = arith.constant 0 : i32
    %dma_start3A_65 = tpu.memref_slice %arg7[%add3A_38, %dma_start3A_64] : memref<4096x1024xf32, #tpu.memory_space<hbm>> -> memref<56x1024xf32, #tpu.memory_space<hbm>>
    tpu.enqueue_dma source(%arg13 : memref<56x1024xf32, #tpu.memory_space<vmem>>) target(%dma_start3A_65 : memref<56x1024xf32, #tpu.memory_space<hbm>>) target_semaphore(%arg21 : memref<!tpu.dma_semaphore, #tpu.memory_space<semaphore_mem>>)
    %dma_wait3A_66 = arith.constant 0 : i32
    %dma_wait3A_67 = tpu.memref_slice %arg7[%add3A_34, %dma_wait3A_66] : memref<4096x1024xf32, #tpu.memory_space<hbm>> -> memref<64x1024xf32, #tpu.memory_space<hbm>>
    %dma_wait3A_68 = arith.constant 0 : i32
    %dma_wait3A_69 = tpu.memref_slice %arg7[%add3A_34, %dma_wait3A_68] : memref<4096x1024xf32, #tpu.memory_space<hbm>> -> memref<64x1024xf32, #tpu.memory_space<hbm>>
    tpu.wait_dma2 semaphore(%arg20 : memref<!tpu.dma_semaphore, #tpu.memory_space<semaphore_mem>>) src(%arg12 : memref<64x1024xf32, #tpu.memory_space<vmem>>) dst(%dma_wait3A_69 : memref<64x1024xf32, #tpu.memory_space<hbm>>)
    %dma_start3A_70 = arith.constant 0 : i32
    %dma_start3A_71 = arith.constant 0 : i32
    %dma_start3A_72 = tpu.memref_slice %arg12[%dma_start3A_70, %dma_start3A_71] : memref<64x1024xf32, #tpu.memory_space<vmem>> -> memref<8x1024xf32, #tpu.memory_space<vmem>>
    %dma_start3A_73 = arith.constant 0 : i32
    %dma_start3A_74 = tpu.memref_slice %arg3[%add3A_30, %dma_start3A_73] : memref<65536x1024xf32, #tpu.memory_space<hbm>> -> memref<8x1024xf32, #tpu.memory_space<hbm>>
    %dma_start3A_75 = arith.constant 0 : i32
    %dma_start3A_76 = arith.constant 0 : i32
    %dma_start3A_77 = tpu.memref_slice %arg12[%dma_start3A_75, %dma_start3A_76] : memref<64x1024xf32, #tpu.memory_space<vmem>> -> memref<8x1024xf32, #tpu.memory_space<vmem>>
    %dma_start3A_78 = arith.constant 0 : i32
    %dma_start3A_79 = tpu.memref_slice %arg3[%add3A_30, %dma_start3A_78] : memref<65536x1024xf32, #tpu.memory_space<hbm>> -> memref<8x1024xf32, #tpu.memory_space<hbm>>
    tpu.enqueue_dma source(%dma_start3A_79 : memref<8x1024xf32, #tpu.memory_space<hbm>>) target(%dma_start3A_77 : memref<8x1024xf32, #tpu.memory_space<vmem>>) target_semaphore(%arg19 : memref<!tpu.dma_semaphore, #tpu.memory_space<semaphore_mem>>)
    %dma_wait3A_80 = arith.constant 0 : i32
    %dma_wait3A_81 = arith.constant 0 : i32
    %dma_wait3A_82 = tpu.memref_slice %arg12[%dma_wait3A_80, %dma_wait3A_81] : memref<64x1024xf32, #tpu.memory_space<vmem>> -> memref<8x1024xf32, #tpu.memory_space<vmem>>
    %dma_wait3A_83 = arith.constant 0 : i32
    %dma_wait3A_84 = tpu.memref_slice %arg3[%add3A_30, %dma_wait3A_83] : memref<65536x1024xf32, #tpu.memory_space<hbm>> -> memref<8x1024xf32, #tpu.memory_space<hbm>>
    %dma_wait3A_85 = arith.constant 0 : i32
    %dma_wait3A_86 = arith.constant 0 : i32
    %dma_wait3A_87 = tpu.memref_slice %arg12[%dma_wait3A_85, %dma_wait3A_86] : memref<64x1024xf32, #tpu.memory_space<vmem>> -> memref<8x1024xf32, #tpu.memory_space<vmem>>
    %dma_wait3A_88 = arith.constant 0 : i32
    %dma_wait3A_89 = tpu.memref_slice %arg3[%add3A_30, %dma_wait3A_88] : memref<65536x1024xf32, #tpu.memory_space<hbm>> -> memref<8x1024xf32, #tpu.memory_space<hbm>>
    tpu.wait_dma2 semaphore(%arg19 : memref<!tpu.dma_semaphore, #tpu.memory_space<semaphore_mem>>) src(%dma_wait3A_89 : memref<8x1024xf32, #tpu.memory_space<hbm>>) dst(%dma_wait3A_87 : memref<8x1024xf32, #tpu.memory_space<vmem>>)
    %dma_start3A_90 = arith.constant 0 : i32
    %dma_start3A_91 = arith.constant 0 : i32
    %dma_start3A_92 = tpu.memref_slice %arg12[%dma_start3A_90, %dma_start3A_91] : memref<64x1024xf32, #tpu.memory_space<vmem>> -> memref<8x1024xf32, #tpu.memory_space<vmem>>
    %dma_start3A_93 = arith.constant 0 : i32
    %dma_start3A_94 = tpu.memref_slice %arg7[%add3A_42, %dma_start3A_93] : memref<4096x1024xf32, #tpu.memory_space<hbm>> -> memref<8x1024xf32, #tpu.memory_space<hbm>>
    %dma_start3A_95 = arith.constant 0 : i32
    %dma_start3A_96 = tpu.memref_slice %arg7[%add3A_42, %dma_start3A_95] : memref<4096x1024xf32, #tpu.memory_space<hbm>> -> memref<8x1024xf32, #tpu.memory_space<hbm>>
    %dma_start3A_97 = arith.constant 0 : i32
    %dma_start3A_98 = arith.constant 0 : i32
    %dma_start3A_99 = tpu.memref_slice %arg12[%dma_start3A_97, %dma_start3A_98] : memref<64x1024xf32, #tpu.memory_space<vmem>> -> memref<8x1024xf32, #tpu.memory_space<vmem>>
    tpu.enqueue_dma source(%dma_start3A_99 : memref<8x1024xf32, #tpu.memory_space<vmem>>) target(%dma_start3A_96 : memref<8x1024xf32, #tpu.memory_space<hbm>>) target_semaphore(%arg22 : memref<!tpu.dma_semaphore, #tpu.memory_space<semaphore_mem>>)
    %dma_wait3A_100 = arith.constant 0 : i32
    %dma_wait3A_101 = tpu.memref_slice %arg4[%reduce_max3A_7, %dma_wait3A_100] : memref<512x1024xf32, #tpu.memory_space<hbm>> -> memref<1x1024xf32, #tpu.memory_space<hbm>>
    %dma_wait3A_102 = arith.constant 0 : i32
    %dma_wait3A_103 = tpu.memref_slice %arg4[%reduce_max3A_7, %dma_wait3A_102] : memref<512x1024xf32, #tpu.memory_space<hbm>> -> memref<1x1024xf32, #tpu.memory_space<hbm>>
    tpu.wait_dma2 semaphore(%arg23 : memref<!tpu.dma_semaphore, #tpu.memory_space<semaphore_mem>>) src(%dma_wait3A_103 : memref<1x1024xf32, #tpu.memory_space<hbm>>) dst(%arg14 : memref<1x1024xf32, #tpu.memory_space<vmem>>)
    %dma_wait3A_104 = arith.constant 0 : i32
    %dma_wait3A_105 = tpu.memref_slice %arg5[%reduce_max3A_7, %dma_wait3A_104] : memref<512x128xi32, #tpu.memory_space<hbm>> -> memref<1x128xi32, #tpu.memory_space<hbm>>
    %dma_wait3A_106 = arith.constant 0 : i32
    %dma_wait3A_107 = tpu.memref_slice %arg5[%reduce_max3A_7, %dma_wait3A_106] : memref<512x128xi32, #tpu.memory_space<hbm>> -> memref<1x128xi32, #tpu.memory_space<hbm>>
    tpu.wait_dma2 semaphore(%arg23 : memref<!tpu.dma_semaphore, #tpu.memory_space<semaphore_mem>>) src(%dma_wait3A_107 : memref<1x128xi32, #tpu.memory_space<hbm>>) dst(%arg15 : memref<1x128xi32, #tpu.memory_space<vmem>>)
    %dma_wait3A_108 = arith.constant 0 : i32
    %dma_wait3A_109 = tpu.memref_slice %arg6[%reduce_max3A_7, %dma_wait3A_108] : memref<512x128xi32, #tpu.memory_space<hbm>> -> memref<1x128xi32, #tpu.memory_space<hbm>>
    %dma_wait3A_110 = arith.constant 0 : i32
    %dma_wait3A_111 = tpu.memref_slice %arg6[%reduce_max3A_7, %dma_wait3A_110] : memref<512x128xi32, #tpu.memory_space<hbm>> -> memref<1x128xi32, #tpu.memory_space<hbm>>
    tpu.wait_dma2 semaphore(%arg23 : memref<!tpu.dma_semaphore, #tpu.memory_space<semaphore_mem>>) src(%dma_wait3A_111 : memref<1x128xi32, #tpu.memory_space<hbm>>) dst(%arg16 : memref<1x128xi32, #tpu.memory_space<vmem>>)
    %dma_start3A_112 = arith.constant 0 : i32
    %dma_start3A_113 = tpu.memref_slice %arg8[%add3A, %dma_start3A_112] : memref<32x1024xf32, #tpu.memory_space<hbm>> -> memref<1x1024xf32, #tpu.memory_space<hbm>>
    %dma_start3A_114 = arith.constant 0 : i32
    %dma_start3A_115 = tpu.memref_slice %arg8[%add3A, %dma_start3A_114] : memref<32x1024xf32, #tpu.memory_space<hbm>> -> memref<1x1024xf32, #tpu.memory_space<hbm>>
    tpu.enqueue_dma source(%arg14 : memref<1x1024xf32, #tpu.memory_space<vmem>>) target(%dma_start3A_115 : memref<1x1024xf32, #tpu.memory_space<hbm>>) target_semaphore(%arg24 : memref<!tpu.dma_semaphore, #tpu.memory_space<semaphore_mem>>)
    %dma_start3A_116 = arith.constant 0 : i32
    %dma_start3A_117 = tpu.memref_slice %arg9[%add3A, %dma_start3A_116] : memref<32x128xi32, #tpu.memory_space<hbm>> -> memref<1x128xi32, #tpu.memory_space<hbm>>
    %dma_start3A_118 = arith.constant 0 : i32
    %dma_start3A_119 = tpu.memref_slice %arg9[%add3A, %dma_start3A_118] : memref<32x128xi32, #tpu.memory_space<hbm>> -> memref<1x128xi32, #tpu.memory_space<hbm>>
    tpu.enqueue_dma source(%arg15 : memref<1x128xi32, #tpu.memory_space<vmem>>) target(%dma_start3A_119 : memref<1x128xi32, #tpu.memory_space<hbm>>) target_semaphore(%arg24 : memref<!tpu.dma_semaphore, #tpu.memory_space<semaphore_mem>>)
    %dma_start3A_120 = arith.constant 0 : i32
    %dma_start3A_121 = tpu.memref_slice %arg10[%add3A, %dma_start3A_120] : memref<32x128xi32, #tpu.memory_space<hbm>> -> memref<1x128xi32, #tpu.memory_space<hbm>>
    %dma_start3A_122 = arith.constant 0 : i32
    %dma_start3A_123 = tpu.memref_slice %arg10[%add3A, %dma_start3A_122] : memref<32x128xi32, #tpu.memory_space<hbm>> -> memref<1x128xi32, #tpu.memory_space<hbm>>
    tpu.enqueue_dma source(%arg16 : memref<1x128xi32, #tpu.memory_space<vmem>>) target(%dma_start3A_123 : memref<1x128xi32, #tpu.memory_space<hbm>>) target_semaphore(%arg24 : memref<!tpu.dma_semaphore, #tpu.memory_space<semaphore_mem>>)
    %dma_wait3A_124 = arith.constant 0 : i32
    %dma_wait3A_125 = tpu.memref_slice %arg7[%add3A_38, %dma_wait3A_124] : memref<4096x1024xf32, #tpu.memory_space<hbm>> -> memref<56x1024xf32, #tpu.memory_space<hbm>>
    %dma_wait3A_126 = arith.constant 0 : i32
    %dma_wait3A_127 = tpu.memref_slice %arg7[%add3A_38, %dma_wait3A_126] : memref<4096x1024xf32, #tpu.memory_space<hbm>> -> memref<56x1024xf32, #tpu.memory_space<hbm>>
    tpu.wait_dma2 semaphore(%arg21 : memref<!tpu.dma_semaphore, #tpu.memory_space<semaphore_mem>>) src(%arg13 : memref<56x1024xf32, #tpu.memory_space<vmem>>) dst(%dma_wait3A_127 : memref<56x1024xf32, #tpu.memory_space<hbm>>)
    %dma_wait3A_128 = arith.constant 0 : i32
    %dma_wait3A_129 = arith.constant 0 : i32
    %dma_wait3A_130 = tpu.memref_slice %arg12[%dma_wait3A_128, %dma_wait3A_129] : memref<64x1024xf32, #tpu.memory_space<vmem>> -> memref<8x1024xf32, #tpu.memory_space<vmem>>
    %dma_wait3A_131 = arith.constant 0 : i32
    %dma_wait3A_132 = tpu.memref_slice %arg7[%add3A_42, %dma_wait3A_131] : memref<4096x1024xf32, #tpu.memory_space<hbm>> -> memref<8x1024xf32, #tpu.memory_space<hbm>>
    %dma_wait3A_133 = arith.constant 0 : i32
    %dma_wait3A_134 = tpu.memref_slice %arg7[%add3A_42, %dma_wait3A_133] : memref<4096x1024xf32, #tpu.memory_space<hbm>> -> memref<8x1024xf32, #tpu.memory_space<hbm>>
    %dma_wait3A_135 = arith.constant 0 : i32
    %dma_wait3A_136 = arith.constant 0 : i32
    %dma_wait3A_137 = tpu.memref_slice %arg12[%dma_wait3A_135, %dma_wait3A_136] : memref<64x1024xf32, #tpu.memory_space<vmem>> -> memref<8x1024xf32, #tpu.memory_space<vmem>>
    tpu.wait_dma2 semaphore(%arg22 : memref<!tpu.dma_semaphore, #tpu.memory_space<semaphore_mem>>) src(%dma_wait3A_137 : memref<8x1024xf32, #tpu.memory_space<vmem>>) dst(%dma_wait3A_134 : memref<8x1024xf32, #tpu.memory_space<hbm>>)
    %dma_wait3A_138 = arith.constant 0 : i32
    %dma_wait3A_139 = tpu.memref_slice %arg8[%add3A, %dma_wait3A_138] : memref<32x1024xf32, #tpu.memory_space<hbm>> -> memref<1x1024xf32, #tpu.memory_space<hbm>>
    %dma_wait3A_140 = arith.constant 0 : i32
    %dma_wait3A_141 = tpu.memref_slice %arg8[%add3A, %dma_wait3A_140] : memref<32x1024xf32, #tpu.memory_space<hbm>> -> memref<1x1024xf32, #tpu.memory_space<hbm>>
    tpu.wait_dma2 semaphore(%arg24 : memref<!tpu.dma_semaphore, #tpu.memory_space<semaphore_mem>>) src(%arg14 : memref<1x1024xf32, #tpu.memory_space<vmem>>) dst(%dma_wait3A_141 : memref<1x1024xf32, #tpu.memory_space<hbm>>)
    %dma_wait3A_142 = arith.constant 0 : i32
    %dma_wait3A_143 = tpu.memref_slice %arg9[%add3A, %dma_wait3A_142] : memref<32x128xi32, #tpu.memory_space<hbm>> -> memref<1x128xi32, #tpu.memory_space<hbm>>
    %dma_wait3A_144 = arith.constant 0 : i32
    %dma_wait3A_145 = tpu.memref_slice %arg9[%add3A, %dma_wait3A_144] : memref<32x128xi32, #tpu.memory_space<hbm>> -> memref<1x128xi32, #tpu.memory_space<hbm>>
    tpu.wait_dma2 semaphore(%arg24 : memref<!tpu.dma_semaphore, #tpu.memory_space<semaphore_mem>>) src(%arg15 : memref<1x128xi32, #tpu.memory_space<vmem>>) dst(%dma_wait3A_145 : memref<1x128xi32, #tpu.memory_space<hbm>>)
    %dma_wait3A_146 = arith.constant 0 : i32
    %dma_wait3A_147 = tpu.memref_slice %arg10[%add3A, %dma_wait3A_146] : memref<32x128xi32, #tpu.memory_space<hbm>> -> memref<1x128xi32, #tpu.memory_space<hbm>>
    %dma_wait3A_148 = arith.constant 0 : i32
    %dma_wait3A_149 = tpu.memref_slice %arg10[%add3A, %dma_wait3A_148] : memref<32x128xi32, #tpu.memory_space<hbm>> -> memref<1x128xi32, #tpu.memory_space<hbm>>
    tpu.wait_dma2 semaphore(%arg24 : memref<!tpu.dma_semaphore, #tpu.memory_space<semaphore_mem>>) src(%arg16 : memref<1x128xi32, #tpu.memory_space<vmem>>) dst(%dma_wait3A_149 : memref<1x128xi32, #tpu.memory_space<hbm>>)
    return
  }
}

module attributes {stable_mosaic.version = 14 : i64} {
  func.func @_score_body(%arg0: i32, %arg1: memref<32x2048xf32, #tpu.memory_space<vmem>>, %arg2: memref<128x2048xf32, #tpu.memory_space<vmem>>, %arg3: memref<1x128xf32, #tpu.memory_space<vmem>>, %arg4: memref<1024x128xf32, #tpu.memory_space<vmem>>, %arg5: memref<1x1024xf32, #tpu.memory_space<vmem>>, %arg6: memref<32x16xi32, #tpu.memory_space<vmem>>, %arg7: memref<32x16x128xf32, #tpu.memory_space<vmem>>, %arg8: memref<32x16xf32, #tpu.memory_space<vmem>>, %arg9: memref<32x1024xf32, #tpu.memory_space<vmem>>) attributes {dimension_semantics = [#tpu.dimension_semantics<arbitrary>], iteration_bounds = array<i64: 16>, scalar_prefetch = 0 : i64, scratch_operands = 1 : i64, tpu.core_type = #tpu.core_type<tc>, window_params = [{pipeline_mode = #tpu.pipeline_mode<synchronous>, transform_indices = @transform_0, window_bounds = array<i64: 32, 2048>}, {transform_indices = @transform_1, window_bounds = array<i64: 128, 2048>}, {transform_indices = @transform_2, window_bounds = array<i64: 1, 128>}, {transform_indices = @transform_3, window_bounds = array<i64: 1024, 128>}, {pipeline_mode = #tpu.pipeline_mode<synchronous>, transform_indices = @transform_4, window_bounds = array<i64: 1, 1024>}, {pipeline_mode = #tpu.pipeline_mode<synchronous>, transform_indices = @transform_5, window_bounds = array<i64: 32, 16>}, {transform_indices = @transform_6, window_bounds = array<i64: 32, 16, 128>}, {pipeline_mode = #tpu.pipeline_mode<synchronous>, transform_indices = @transform_7, window_bounds = array<i64: 32, 16>}]} {
    %lt3A = arith.constant 8 : i32
    %lt3A_0 = arith.cmpi slt, %arg0, %lt3A : i32
    %convert_element_type3A = arith.extui %lt3A_0 : i1 to i32
    %cond3A = arith.constant 0 : i32
    %cond3A_1 = arith.cmpi ne, %convert_element_type3A, %cond3A : i32
    scf.if %cond3A_1 {
      %get3A = arith.constant 0 : index
      %get3A_6 = arith.constant 0 : index
      %get3A_7 = vector.load %arg1[%get3A, %get3A_6] : memref<32x2048xf32, #tpu.memory_space<vmem>>, vector<32x2048xf32>
      %convert_element_type3A_8 = arith.truncf %get3A_7 : vector<32x2048xf32> to vector<32x2048xbf16>
      %get3A_9 = arith.constant 0 : index
      %get3A_10 = arith.constant 0 : index
      %get3A_11 = vector.load %arg2[%get3A_9, %get3A_10] : memref<128x2048xf32, #tpu.memory_space<vmem>>, vector<128x2048xf32>
      %convert_element_type3A_12 = arith.truncf %get3A_11 : vector<128x2048xf32> to vector<128x2048xbf16>
      %dot_general3A = arith.constant dense<0.000000e+00> : vector<32x128xf32>
      %dot_general3A_13 = tpu.matmul %convert_element_type3A_8, %convert_element_type3A_12, %dot_general3A {dimension_numbers = #tpu.dot_dimension_numbers<[1], [1], [0], [0], [0, 0, 1, 0], [], []>, transpose_lhs_hint = false} : vector<32x2048xbf16>, vector<128x2048xbf16>, vector<32x128xf32> -> vector<32x128xf32>
      %get3A_14 = arith.constant 0 : index
      %get3A_15 = arith.constant 0 : index
      %get3A_16 = vector.load %arg3[%get3A_14, %get3A_15] : memref<1x128xf32, #tpu.memory_space<vmem>>, vector<1x128xf32>
      %add3A = vector.broadcast %get3A_16 : vector<1x128xf32> to vector<32x128xf32>
      %add3A_17 = arith.addf %dot_general3A_13, %add3A : vector<32x128xf32>
      %mul3A = arith.constant 128 : i32
      %mul3A_18 = arith.muli %arg0, %mul3A : i32
      %swap3A = arith.constant 0 : index
      %swap3A_19 = arith.index_cast %mul3A_18 : i32 to index
      %swap3A_20 = vector.load %arg9[%swap3A, %swap3A_19] : memref<32x1024xf32, #tpu.memory_space<vmem>>, vector<32x128xf32>
      tpu.vector_store %arg9[%swap3A, %swap3A_19], %add3A_17 {strides = array<i32>} : memref<32x1024xf32, #tpu.memory_space<vmem>>, vector<32x128xf32>,
    } else {
    }
    %ge3A = arith.constant 8 : i32
    %ge3A_2 = arith.cmpi sge, %arg0, %ge3A : i32
    %convert_element_type3A_3 = arith.extui %ge3A_2 : i1 to i32
    %cond3A_4 = arith.constant 0 : i32
    %cond3A_5 = arith.cmpi ne, %convert_element_type3A_3, %cond3A_4 : i32
    scf.if %cond3A_5 {
      %sub3A = arith.constant 8 : i32
      %sub3A_6 = arith.subi %arg0, %sub3A : i32
      %get3A = arith.constant 0 : index
      %get3A_7 = arith.constant 0 : index
      %get3A_8 = vector.load %arg9[%get3A, %get3A_7] : memref<32x1024xf32, #tpu.memory_space<vmem>>, vector<32x1024xf32>
      %convert_element_type3A_9 = arith.truncf %get3A_8 : vector<32x1024xf32> to vector<32x1024xbf16>
      %get3A_10 = arith.constant 0 : index
      %get3A_11 = arith.constant 0 : index
      %get3A_12 = vector.load %arg4[%get3A_10, %get3A_11] : memref<1024x128xf32, #tpu.memory_space<vmem>>, vector<1024x128xf32>
      %convert_element_type3A_13 = arith.truncf %get3A_12 : vector<1024x128xf32> to vector<1024x128xbf16>
      %dot_general3A = arith.constant dense<0.000000e+00> : vector<32x128xf32>
      %dot_general3A_14 = tpu.matmul %convert_element_type3A_9, %convert_element_type3A_13, %dot_general3A {dimension_numbers = #tpu.dot_dimension_numbers<[1], [0], [0], [1], [0, 0, 1, 1], [], []>, transpose_lhs_hint = false} : vector<32x1024xbf16>, vector<1024x128xbf16>, vector<32x128xf32> -> vector<32x128xf32>
      %get3A_15 = arith.constant 0 : index
      %get3A_16 = arith.constant 0 : index
      %get3A_17 = arith.constant 0 : index
      %get3A_18 = vector.load %arg7[%get3A_15, %get3A_16, %get3A_17] : memref<32x16x128xf32, #tpu.memory_space<vmem>>, vector<32x16x128xf32>
      %broadcast_in_dim3A = vector.shape_cast %dot_general3A_14 : vector<32x128xf32> to vector<32x1x128xf32>
      %mul3A = vector.broadcast %broadcast_in_dim3A : vector<32x1x128xf32> to vector<32x16x128xf32>
      %mul3A_19 = arith.mulf %get3A_18, %mul3A : vector<32x16x128xf32>
      %reduce_sum3A = arith.constant dense<0.000000e+00> : vector<32x16xf32>
      %reduce_sum3A_20 = vector.multi_reduction <add>, %mul3A_19, %reduce_sum3A [2] : vector<32x16x128xf32> to vector<32x16xf32>
      %eq3A = arith.constant 0 : i32
      %eq3A_21 = arith.cmpi eq, %sub3A_6, %eq3A : i32
      %convert_element_type3A_22 = arith.extui %eq3A_21 : i1 to i32
      %cond3A_23 = arith.constant 0 : i32
      %cond3A_24 = arith.cmpi ne, %convert_element_type3A_22, %cond3A_23 : i32
      scf.if %cond3A_24 {
        %get3A_34 = arith.constant 0 : index
        %get3A_35 = arith.constant 0 : index
        %get3A_36 = vector.load %arg5[%get3A_34, %get3A_35] : memref<1x1024xf32, #tpu.memory_space<vmem>>, vector<1x1024xf32>
        %mul3A_37 = vector.broadcast %get3A_36 : vector<1x1024xf32> to vector<32x1024xf32>
        %mul3A_38 = arith.mulf %get3A_8, %mul3A_37 : vector<32x1024xf32>
        %reduce_sum3A_39 = arith.constant dense<0.000000e+00> : vector<32xf32>
        %reduce_sum3A_40 = vector.multi_reduction <add>, %mul3A_38, %reduce_sum3A_39 [1] : vector<32x1024xf32> to vector<32xf32>
        %broadcast_in_dim3A_41 = vector.shape_cast %reduce_sum3A_40 : vector<32xf32> to vector<32x1xf32>
        %add3A = vector.broadcast %broadcast_in_dim3A_41 : vector<32x1xf32> to vector<32x16xf32>
        %add3A_42 = arith.addf %reduce_sum3A_20, %add3A : vector<32x16xf32>
        %swap3A = arith.constant 0 : index
        %swap3A_43 = arith.constant 0 : index
        %swap3A_44 = vector.load %arg8[%swap3A, %swap3A_43] : memref<32x16xf32, #tpu.memory_space<vmem>>, vector<32x16xf32>
        tpu.vector_store %arg8[%swap3A, %swap3A_43], %add3A_42 {strides = array<i32>} : memref<32x16xf32, #tpu.memory_space<vmem>>, vector<32x16xf32>,
      } else {
      }
      %gt3A = arith.constant 0 : i32
      %gt3A_25 = arith.cmpi sgt, %sub3A_6, %gt3A : i32
      %convert_element_type3A_26 = arith.extui %gt3A_25 : i1 to i32
      %cond3A_27 = arith.constant 0 : i32
      %cond3A_28 = arith.cmpi ne, %convert_element_type3A_26, %cond3A_27 : i32
      scf.if %cond3A_28 {
        %get3A_34 = arith.constant 0 : index
        %get3A_35 = arith.constant 0 : index
        %get3A_36 = vector.load %arg8[%get3A_34, %get3A_35] : memref<32x16xf32, #tpu.memory_space<vmem>>, vector<32x16xf32>
        %add3A = arith.addf %get3A_36, %reduce_sum3A_20 : vector<32x16xf32>
        %swap3A = arith.constant 0 : index
        %swap3A_37 = arith.constant 0 : index
        %swap3A_38 = vector.load %arg8[%swap3A, %swap3A_37] : memref<32x16xf32, #tpu.memory_space<vmem>>, vector<32x16xf32>
        tpu.vector_store %arg8[%swap3A, %swap3A_37], %add3A {strides = array<i32>} : memref<32x16xf32, #tpu.memory_space<vmem>>, vector<32x16xf32>,
      } else {
      }
      %eq3A_29 = arith.constant 7 : i32
      %eq3A_30 = arith.cmpi eq, %sub3A_6, %eq3A_29 : i32
      %convert_element_type3A_31 = arith.extui %eq3A_30 : i1 to i32
      %cond3A_32 = arith.constant 0 : i32
      %cond3A_33 = arith.cmpi ne, %convert_element_type3A_31, %cond3A_32 : i32
      scf.if %cond3A_33 {
        %get3A_34 = arith.constant 0 : index
        %get3A_35 = arith.constant 0 : index
        %get3A_36 = vector.load %arg6[%get3A_34, %get3A_35] : memref<32x16xi32, #tpu.memory_space<vmem>>, vector<32x16xi32>
        %ne3A = arith.constant 0 : i32
        %ne3A_37 = vector.broadcast %ne3A : i32 to vector<32x16xi32>
        %ne3A_38 = arith.cmpi ne, %get3A_36, %ne3A_37 : vector<32x16xi32>
        %get3A_39 = arith.constant 0 : index
        %get3A_40 = arith.constant 0 : index
        %get3A_41 = vector.load %arg8[%get3A_39, %get3A_40] : memref<32x16xf32, #tpu.memory_space<vmem>>, vector<32x16xf32>
        %jit3A = arith.constant -1.000000e+20 : f32
        %broadcast_in_dim3A_42 = vector.broadcast %jit3A : f32 to vector<32x16xf32>
        %select_n3A = arith.select %ne3A_38, %get3A_41, %broadcast_in_dim3A_42 : vector<32x16xi1>, vector<32x16xf32>
        %swap3A = arith.constant 0 : index
        %swap3A_43 = arith.constant 0 : index
        %swap3A_44 = vector.load %arg8[%swap3A, %swap3A_43] : memref<32x16xf32, #tpu.memory_space<vmem>>, vector<32x16xf32>
        tpu.vector_store %arg8[%swap3A, %swap3A_43], %select_n3A {strides = array<i32>} : memref<32x16xf32, #tpu.memory_space<vmem>>, vector<32x16xf32>,
      } else {
      }
    } else {
    }
    return
  }
  func.func @transform_0(%arg0: i32) -> (i32, i32) {
    %c0_i32 = arith.constant 0 : i32
    %c0_i32_0 = arith.constant 0 : i32
    %c0_i32_1 = arith.constant 0 : i32
    return %c0_i32, %c0_i32_0 : i32, i32
  }
  func.func @transform_1(%arg0: i32) -> (i32, i32) {
    %min3A = arith.constant 7 : i32
    %min3A_0 = arith.minsi %arg0, %min3A : i32
    %c0_i32 = arith.constant 0 : i32
    %c0_i32_1 = arith.constant 0 : i32
    return %min3A_0, %c0_i32 : i32, i32
  }
  func.func @transform_2(%arg0: i32) -> (i32, i32) {
    %min3A = arith.constant 7 : i32
    %min3A_0 = arith.minsi %arg0, %min3A : i32
    %c0_i32 = arith.constant 0 : i32
    %c0_i32_1 = arith.constant 0 : i32
    return %c0_i32, %min3A_0 : i32, i32
  }
  func.func @transform_3(%arg0: i32) -> (i32, i32) {
    %sub3A = arith.constant 8 : i32
    %sub3A_0 = arith.subi %arg0, %sub3A : i32
    %max3A = arith.constant 0 : i32
    %max3A_1 = arith.maxsi %sub3A_0, %max3A : i32
    %c0_i32 = arith.constant 0 : i32
    %c0_i32_2 = arith.constant 0 : i32
    return %c0_i32, %max3A_1 : i32, i32
  }
  func.func @transform_4(%arg0: i32) -> (i32, i32) {
    %c0_i32 = arith.constant 0 : i32
    %c0_i32_0 = arith.constant 0 : i32
    %c0_i32_1 = arith.constant 0 : i32
    return %c0_i32, %c0_i32_0 : i32, i32
  }
  func.func @transform_5(%arg0: i32) -> (i32, i32) {
    %c0_i32 = arith.constant 0 : i32
    %c0_i32_0 = arith.constant 0 : i32
    %c0_i32_1 = arith.constant 0 : i32
    return %c0_i32, %c0_i32_0 : i32, i32
  }
  func.func @transform_6(%arg0: i32) -> (i32, i32, i32) {
    %sub3A = arith.constant 8 : i32
    %sub3A_0 = arith.subi %arg0, %sub3A : i32
    %max3A = arith.constant 0 : i32
    %max3A_1 = arith.maxsi %sub3A_0, %max3A : i32
    %c0_i32 = arith.constant 0 : i32
    %c0_i32_2 = arith.constant 0 : i32
    %c0_i32_3 = arith.constant 0 : i32
    return %c0_i32, %c0_i32_2, %max3A_1 : i32, i32, i32
  }
  func.func @transform_7(%arg0: i32) -> (i32, i32) {
    %c0_i32 = arith.constant 0 : i32
    %c0_i32_0 = arith.constant 0 : i32
    %c0_i32_1 = arith.constant 0 : i32
    return %c0_i32, %c0_i32_0 : i32, i32
  }
}

</mosaic_0001>

<sc_bundles>
// kernel: kernel.4.cloned.1.call-start
scs
__scs_entry_jumppad:
0x0: {  	(pc) =	sbr.rel $0x88, $3  }
0x1: {  	(tag) =	ssettag $0x0;
	lr =	simm.s32 $0x1  }
0x2: {  	[smem:$0x3F95] =	sst lr;
	_ =	strace $0xD0000000  }
0x3: {  	_ = 	snop  }
0x4: {  	_ = 	snop  }
0x5: {  	_ = 	snop  }
0x6: {  	_ = 	snop  }
0x7: {  	_ = 	snop  }
__scs_overlays_trampoline_lowered:
0x8: {  	[smem:$0x3FA4] =	sst s0  }
0x9: {  	[smem:$0x3FA5] =	sst s1  }
0xa: {  	[smem:$0x3FA6] =	sst s2  }
0xb: {  	[smem:$0x3FA7] =	sst s3  }
0xc: {  	[smem:$0x3FA8] =	sst s4  }
0xd: {  	[smem:$0x3FA9] =	sst s5  }
0xe: {  	[smem:$0x3FAA] =	sst s6  }
0xf: {  	[smem:$0x3FAB] =	sst s7  }
0x10: {  	[smem:$0x3FAC] =	sst s8  }
0x11: {  	[smem:$0x3FAD] =	sst s9;
	s0 =	simm.s32 @!p0 $0x0  }
0x12: {  	s1 =	sld [smem:$0x3F93];
	s0 =	simm.s32 @p0 $0x1  }
0x13: {  	[smem:$0x3FAE] =	sst s0;
	s0 =	simm.s32 @!p1 $0x0  }
0x14: {  	s2 =	sld [smem:$0x3F92];
	s0 =	simm.s32 @p1 $0x1  }
0x15: {  	[smem:$0x3FAF] =	sst s0;
	s0 =	simm.s32 @!p2 $0x0  }
0x16: {  	s3 =	sld [smem:$0x3FDB];
	s0 =	simm.s32 @p2 $0x1  }
0x17: {  	s4 =	simm.s32 $0x1BF5;
	[smem:$0x3FB1] =	sst s0  }
0x18: {  	s0 =	sld [smem:$0x3F94];
	_ =	swait.ge [sflag:s4], $0x0  }
0x19: {  	s7 =	sld [smem:$0x3F95]  }
0x1a: {  	s8 =	sadd.s32 $0xFFFFE003, lr  }
0x1b: {  	s9 =	sadd.s32 $0xFFFFFEF7, lr;
	s5 =	simm.s32 $0xFFFFFFFF;
	p2 =	slt.u32 s8, $0xFFFFF086  }
0x1c: {  	p1 =	slt.u32 s9, $0xF7A;
	s5 =	simm.s32 @!p2 $0x0  }
0x1d: {  	s5 =	simm.s32 @p1 $0x1;
	p0 =	seq.s32 s7, s2  }
0x1e: {  	s7 =	smul.u32 @!p0 $0xF7A, s2;
	p2 =	seq.s32 @!p0 s5, $0x0  }
0x1f: {  	s9 =	smul.u32 $0xF7A, s1;
	s8 =	simm.s32 @!p0 $0x1BF5;
	p2 =	por !p2, p0  }
0x20: {  	[sflag:s8] =	ssyncset.s32 @!p0 $0xFFFFF086;
	s6 =	sadd.s32 @!p0 s3, s7;
	s7 =	simm.s32 @!p0 $0x108  }
0x21: {  	s3 =	sadd.s32 s3, s9;
	s6 =	sadd.s32 @!p0 $0x88, s6;
	s7 =	simm.s32 @p2 $0x1082  }
0x22: {  	[simem:s7], [sflag:s8] =	dma.local @!p0 [hbm:s6], $0xF7A  }
0x23: {  	s9 =	sor.u32 $0xD0000000, s2;
	s6 =	simm.s32 $0x108;
	_ =	swait.ge @!p0 [sflag:s8], $0x0  }
0x24: {  	s3 =	sadd.s32 $0x88, s3;
	s6 =	simm.s32 @!p1 $0x1082;
	[sflag:s4] =	ssyncset.s32 $0xFFFFF086  }
0x25: {  	[simem:s6], [sflag:s4] =	dma.local [hbm:s3], $0xF7A  }
0x26: {  	[smem:$0x3F95] =	sst s1;
	(tag) =	ssettag s2;
	_ =	strace s9  }
0x27: {  	s1 =	sld [smem:$0x3FA5]  }
0x28: {  	s2 =	sld [smem:$0x3FA6]  }
0x29: {  	s4 =	sld [smem:$0x3FA8]  }
0x2a: {  	p0 =	seq.s32 s5, $0x0;
	s5 =	sld [smem:$0x3FA9]  }
0x2b: {  	s6 =	sld [smem:$0x3FAA]  }
0x2c: {  	s7 =	sld [smem:$0x3FAB]  }
0x2d: {  	s3 =	simm.s32 $0x108;
	s8 =	sld [smem:$0x3FAC]  }
0x2e: {  	s3 =	simm.s32 @!p0 $0x1082;
	s9 =	sld [smem:$0x3FAD]  }
0x2f: {  	lr =	sadd.s32 s0, s3;
	s0 =	sld [smem:$0x3FA4]  }
0x30: {  	s3 =	sld [smem:$0x3FA7]  }
0x31: {  	[smem:$0x3FB0] =	sst s10  }
0x32: {  	s10 =	sld [smem:$0x3FAE];
	_ =	sdelay $0x3  }
0x33: {  	p0 =	seq.s32 s10, $0x1;
	s10 =	sld [smem:$0x3FB0];
	_ =	sdelay $0x3  }
0x34: {  	[smem:$0x3FB0] =	sst s10  }
0x35: {  	s10 =	sld [smem:$0x3FAF];
	_ =	sdelay $0x3  }
0x36: {  	p1 =	seq.s32 s10, $0x1;
	s10 =	sld [smem:$0x3FB0];
	_ =	sdelay $0x3  }
0x37: {  	[smem:$0x3FB0] =	sst s10  }
0x38: {  	s10 =	sld [smem:$0x3FB1]  }
0x39: {  	_ = 	snop;
	(pc) =	sbr.ind lr, $3  }
0x3a: {  	_ = 	snop  }
0x3b: {  	_ = 	snop  }
0x3c: {  	p2 =	seq.s32 s10, $0x1;
	s10 =	sld [smem:$0x3FB0]  }
0x3d: {  	_ =	shalt  }
0x3e: {  	_ =	shalt  }
0x3f: {  	_ =	shalt  }
0x40: {  	_ =	shalt  }
0x41: {  	_ =	shalt  }
0x42: {  	_ =	shalt  }
0x43: {  	_ =	shalt  }
0x44: {  	_ =	shalt  }
0x45: {  	_ =	shalt  }
0x46: {  	_ =	shalt  }
0x47: {  	_ =	shalt  }
0x48: {  	_ =	shalt  }
0x49: {  	_ =	shalt  }
0x4a: {  	_ =	shalt  }
0x4b: {  	_ =	shalt  }
0x4c: {  	_ =	shalt  }
0x4d: {  	_ =	shalt  }
0x4e: {  	_ =	shalt  }
0x4f: {  	_ =	shalt  }
0x50: {  	_ =	shalt  }
0x51: {  	_ =	shalt  }
0x52: {  	_ =	shalt  }
0x53: {  	_ =	shalt  }
0x54: {  	_ =	shalt  }
0x55: {  	_ =	shalt  }
0x56: {  	_ =	shalt  }
0x57: {  	_ =	shalt  }
0x58: {  	_ =	shalt  }
0x59: {  	_ =	shalt  }
0x5a: {  	_ =	shalt  }
0x5b: {  	_ =	shalt  }
0x5c: {  	_ =	shalt  }
0x5d: {  	_ =	shalt  }
0x5e: {  	_ =	shalt  }
0x5f: {  	_ =	shalt  }
0x60: {  	_ =	shalt  }
0x61: {  	_ =	shalt  }
0x62: {  	_ =	shalt  }
0x63: {  	_ =	shalt  }
0x64: {  	_ =	shalt  }
0x65: {  	_ =	shalt  }
0x66: {  	_ =	shalt  }
0x67: {  	_ =	shalt  }
0x68: {  	_ =	shalt  }
0x69: {  	_ =	shalt  }
0x6a: {  	_ =	shalt  }
0x6b: {  	_ =	shalt  }
0x6c: {  	_ =	shalt  }
0x6d: {  	_ =	shalt  }
0x6e: {  	_ =	shalt  }
0x6f: {  	_ =	shalt  }
0x70: {  	_ =	shalt  }
0x71: {  	_ =	shalt  }
0x72: {  	_ =	shalt  }
0x73: {  	_ =	shalt  }
0x74: {  	_ =	shalt  }
0x75: {  	_ =	shalt  }
0x76: {  	_ =	shalt  }
0x77: {  	_ =	shalt  }
0x78: {  	_ =	shalt  }
0x79: {  	_ =	shalt  }
0x7a: {  	_ =	shalt  }
0x7b: {  	_ =	shalt  }
0x7c: {  	_ =	shalt  }
0x7d: {  	_ =	shalt  }
0x7e: {  	_ =	shalt  }
0x7f: {  	_ =	shalt  }
0x80: {  	_ =	shalt  }
0x81: {  	_ =	shalt  }
0x82: {  	_ =	shalt  }
0x83: {  	_ =	shalt  }
0x84: {  	_ =	shalt  }
0x85: {  	_ =	shalt  }
0x86: {  	_ =	shalt  }
0x87: {  	_ =	shalt  }
.Lfunc_end0:
.L_simem_size_0:
called_computation_lowered:
.L_overlay_start_0:
0x88: {  	s2 =	sld [smem:$0x3FD9]  }
0x89: {  	s3 =	sld [smem:$0x3FFE];
	_ =	sdelay $0x1  }
0x8a: {  	s1 =	srdreg.scid  }
0x8b: {  	s0 =	sand.u32 $0x1, s1  }
0x8c: {  	s14 =	sshll.u32 s0, $0xA;
	s2 =	sadd.s32 s3, s2  }
0x8d: {  	s2 =	sadd.s32 s2, s14  }
0x8e: {  	[smem:$0x3FBC] =	sst s2  }
0x8f: {  	_ = 	snop  }
0x90: {  	s2 =	sld [smem:$0x3FD0]  }
0x91: {  	s15 =	sld [smem:$0x3FC7]  }
0x92: {  	s4 =	sld [smem:$0x3FC6]  }
0x93: {  	s6 =	simm.s32 $0xA;
	s7 =	simm.s32 $0x10;
	s5 =	sld [smem:$0x3FC2]  }
0x94: {  	[smem:s7], [sflag:s6] =	dma.local [hbm:s2], $0x1  }
0x95: {  	_ =	swait.eq [sflag:s6], $0x1  }
0x96: {  	s16 =	sld [smem:$0x11]  }
0x97: {  	s17 =	sld [smem:$0x12];
	[sflag:s6] =	ssyncset.done $0x0  }
0x98: {  	s8 =	sld [smem:$0x13];
	[sflag:s6] =	ssyncadd.s32 $0xFFFFFFFF  }
0x99: {  	s18 =	sld [smem:$0x14];
	(tm) =	ssettm $0x1  }
0x9a: {  	s9 =	sld [smem:$0x3FFB];
	_ =	sdelay $0x3  }
0x9b: {  	_ =	strace s9  }
0x9c: {  	s9 =	sld [smem:$0x3FFC];
	_ =	sdelay $0x3  }
0x9d: {  	_ =	strace s9  }
0x9e: {  	s9 =	sld [smem:$0x3FFD];
	_ =	sdelay $0x3  }
0x9f: {  	_ =	strace s9  }
0xa0: {  	_ =	strace $0x8FFFFFFF  }
0xa1: {  	s19 =	sld [smem:$0x3FDB];
	_ =	sdelay $0x1  }
0xa2: {  	s10 =	simm.s32 $_scs_section_size  }
0xa3: {  	s11 =	simm.s32 $_size__tile_overlayer_lowered;
	s12 =	simm.s32 $_tile_overlayer_lowered  }
0xa4: {  	s22 =	simm.s32 $0x1BFF;
	s21 =	sshll.u32 s12, $0x1;
	s9 =	sadd.s32 s10, s19  }
0xa5: {  	s13 =	simm.s32 $0x0;
	s20 =	sshll.u32 s11, $0x1;
	s11 =	sadd.s32 s21, s9  }
0xa6: {  	[timem:s13], [sflag:s22] =	dma.local [hbm:s11], s20  }
0xa7: {  	_ =	swait.ge [sflag:s22], s20  }
0xa8: {  	s10 =	ssub.s32 $0x0, s20;
	[sflag:s22] =	ssyncset.done $0x0  }
0xa9: {  	[sflag:s22] =	ssyncadd.s32 s10;
	_ =	sdelay $0x1  }
0xaa: {  	s23 =	simm.s32 $0x1B8B  }
0xab: {  	_ =	swait.ge [sflag:s23], $0x1  }
0xac: {  	[sflag:s23] =	ssyncset.done $0x0  }
0xad: {  	s25 =	simm.s32 $0x1B8E;
	s24 =	sld [smem:$0x3FFE];
	[sflag:s23] =	ssyncadd.s32 $0xFFFFFFFF  }
0xae: {  	s26 =	simm.s32 $execute0_lowered;
	[smem:$0x3FD2] =	sst s25  }
0xaf: {  	s11 =	sshll.u32 s26, $0x1;
	_ =	strace $0x80000046;
	[dreg:$0x1] =	wrdreg $0xFFFFFFFF  }
0xb0: {  	s28 =	simm.s32 $_size_execute0_lowered;
	s9 =	sadd.s32 s9, s11;
	[dreg:$0x0] =	wrdreg $0x0  }
0xb1: {  	s11 =	sshll.u32 s28, $0x1;
	[dreg:$0x2] =	wrdreg s9  }
0xb2: {  	[dreg:$0x3] =	wrdreg s11  }
0xb3: {  	[dreg:$0x4] =	wrdreg $0xC0  }
0xb4: {  	_ =	task [dreg:s13], $0x5FFFF  }
0xb5: {  	[dreg:$0x1] =	wrdreg $0xFFFFFFFF  }
0xb6: {  	[dreg:$0x0] =	wrdreg $0x60  }
0xb7: {  	[dreg:$0x2] =	wrdreg s17  }
0xb8: {  	[dreg:$0x3] =	wrdreg s15  }
0xb9: {  	[dreg:$0x4] =	wrdreg s4  }
0xba: {  	[dreg:$0x5] =	wrdreg s24  }
0xbb: {  	[dreg:$0x6] =	wrdreg s5  }
0xbc: {  	[dreg:$0x7] =	wrdreg s16  }
0xbd: {  	[dreg:$0x8] =	wrdreg s8  }
0xbe: {  	[dreg:$0x9] =	wrdreg s18  }
0xbf: {  	[dreg:$0xa] =	wrdreg $0x9  }
0xc0: {  	_ =	task.clear_ibuf [dreg:s13], $0xBFFFF;
	_ =	strace $0x90000046  }
0xc1: {  	s29 =	simm.s32 $0x9;
	_ =	strace $0x80000048  }
0xc2: {  	_ =	swait.ge [sflag:s29], $0x1  }
0xc3: {  	[sflag:s29] =	ssyncadd.s32 $0xFFFFFFFF  }
0xc4: {  	_ =	strace $0x90000048  }
0xc5: {  	_ =	sfence  }
0xc6: {  	s30 =	sld [smem:$0x0];
	_ =	sdelay $0x2  }
0xc7: {  	s31 =	sshll.u32 s1, $0xD;
	s1 =	sshrl.u32 s1, $0x2  }
0xc8: {  	s3 =	sand.u32 $0x4000, s31;
	s1 =	sadd.s32 s1, s30  }
0xc9: {  	s0 =	sor.u32 s3, s0;
	s1 =	sshll.u32 s1, $0x11  }
0xca: {  	s0 =	sor.u32 s1, s0  }
0xcb: {  	s0 =	sadd.s32 $0x8F2B, s0  }
0xcc: {  	[sflag:s0] =	ssyncadd.remote.s32 $0x1  }
0xcd: {  	_ =	sfence.sel $0xFFFF  }
0xce: {  	[dreg:$0x0] =	wrdreg $0xFFFFFFFF;
	(pc) =	sbr.abs _section_cstart, $3  }
0xcf: {  	[dreg:$0x1] =	wrdreg $0xFFFFFFFF  }
0xd0: {  	_ =	task.clear_ibuf [dreg:s13], $0x2FFFF;
	_ =	strace $0x9FFFFFFF  }
0xd1: {  	(tm) =	ssettm $0x7FFFFFFF  }
tec
execute0_lowered:
.L_overlay_start_1:
0x0: {  	(tag) =	ssettag $0x1  }
0x1: {  	s0 =	rddreg [dreg:$0x0]  }
0x2: {  	s3 =	rddreg [dreg:$0x1]  }
0x3: {  	s22 =	rddreg [dreg:$0x2]  }
0x4: {  	s4 =	rddreg [dreg:$0x3]  }
0x5: {  	s23 =	rddreg [dreg:$0x4]  }
0x6: {  	s5 =	rddreg [dreg:$0x5]  }
0x7: {  	s6 =	rddreg [dreg:$0x6]  }
0x8: {  	s1 =	srdreg.scid;
	s7 =	rddreg [dreg:$0x7]  }
0x9: {  	s19 =	simm.s32 $0x9;
	s16 =	simm.s32 $0x10080;
	s18 =	simm.s32 $0x1  }
0xa: {  	s17 =	simm.s32 $0x2;
	s15 =	simm.s32 $0x4;
	[dreg:$0x9] =	wrdreg s0  }
0xb: {  	s14 =	simm.s32 $0x3;
	p0 =	por $0x0, $0x0;
	[dreg:$0xa] =	wrdreg s22  }
0xc: {  	[dreg:$0xc] =	wrdreg s23;
	s0 =	stileid.u32;
	s8 =	sand.u32 $0x1, s1  }
0xd: {  	s1 =	rddreg [dreg:$0x8];
	s12 =	sadd.s32 $0x1600, s4;
	s13 =	sadd.s32 $0x2000, s3  }
0xe: {  	s25 =	sadd.s32 $0x3C00, s3;
	s2 =	sshll.u32 s0, $0x1;
	s9 =	sshrl.u32 s0, $0x2  }
0xf: {  	s20 =	sor.u32 s8, s2;
	s2 =	simm.s32 $0x0;
	s11 =	sshll.u32 s9, $0xA  }
0x10: {  	s9 =	sshll.u32 s9, $0xD;
	s8 =	ssub.s32 $0x2, s8;
	[smem:$0x7FF] =	sst s2  }
0x11: {  	s10 =	sshll.u32 s20, $0x7;
	_ =	strace $0x80000047;
	[dreg:$0xb] =	wrdreg s12  }
0x12: {  	s24 =	sshll.u32 s20, $0xE;
	s29 =	sshrl.u32 s8, $0x1;
	[dreg:$0xd] =	wrdreg s13  }
0x13: {  	s10 =	sand.u32 $0x380, s10;
	s12 =	sadd.s32 s5, s24;
	[dreg:$0xf] =	wrdreg s25  }
0x14: {  	s30 =	ssub.s32 s8, s29;
	s8 =	simm.s32 $0x1E500;
	s13 =	simm.s32 $0x7  }
0x15: {  	s11 =	sor.u32 s11, s10;
	s5 =	sadd.s32 $0x2000, s12;
	s9 =	sor.u32 s9, s10  }
0x16: {  	s26 =	sadd.s32 $0x3C00, s12;
	s21 =	smax.u32 s30, $0x1;
	s10 =	simm.s32 $0x6  }
0x17: {  	s11 =	sshrl.u32 s11, $0x3;
	[dreg:$0xe] =	wrdreg s5;
	s9 =	sshrl.u32 s9, $0x3  }
0x18: {  	[dreg:$0x10] =	wrdreg s26;
	s5 =	simm.s32 $0x80;
	p1 =	sne.s32 s21, $0x1  }
.Ltmp0:
0x19: {  	v0 =	vmov s20;
	s20 =	sadd.s32 $0xFFFFFFFF, s21;
	s21 =	rddreg [dreg:$0x9];
	(pc) =	sbr.rel @!p1 .LBB2_3-.Ltmp0, $4  }
0x1a: {  	s4 =	sadd.s32 s11, s4;
	s28 =	sadd.s32 s6, s9;
	s31 =	sadd.s32 s7, s11  }
0x1b: {  	s6 =	simm.s32 $0x400;
	s9 =	simm.s32 $0x1E080;
	[dreg:$0x11] =	wrdreg s28  }
0x1c: {  	s7 =	simm.s32 $0x1E480;
	s4 =	sadd.s32 $0x3600, s4;
	[dreg:$0x13] =	wrdreg s31  }
0x1d: {  	s11 =	simm.s32 $0x5;
	[dreg:$0x12] =	wrdreg s4;
	s4 =	simm.s32 $0x8  }
0x1e: {  	[tilespmem:s2], [sflag:$0x9] =	stream.linear.gather [hbm4b:s21+s2], $0x80, $0x38;
	[tilespmem:$0x1E580] =	vst v63  }
0x1f: {  	_ =	swait.ge [sflag:s19], $0x80  }
0x20: {  	[sflag:s19] =	ssyncset.done $0x0  }
0x21: {  	[sflag:s19] =	ssyncadd.s32 $0xFFFFFF80  }
0x22: {  	v1 =	vld.idx.msk [tilespmem:v0+s2+$0x0], $0xffff;
	_ =	sdelay $0x4  }
0x23: {  	v1 =	vxor.u32 $0x80000000, v1  }
0x24: {  	(xrf0) =	vmax.scan.msk.u32 $0xffff, v1;
	_ =	sdelay $0x5  }
0x25: {  	v1, _, _ =	vpop (xrf0)  }
0x26: {  	(v2sf) =	vpush v1, $0xF;
	_ =	sdelay $0xe  }
0x27: {  	s31 =	spop (v2sf)  }
0x28: {  	s22 =	sshrl.u32 s31, $0x3;
	s23 =	sshll.u32 s31, $0x7  }
0x29: {  	s25 =	sshll.u32 s22, $0xD;
	s23 =	sand.u32 $0x380, s23  }
0x2a: {  	s22 =	sshll.u32 s22, $0xA;
	s25 =	sor.u32 s23, s25  }
0x2b: {  	s24 =	rddreg [dreg:$0xa];
	s22 =	sor.u32 s23, s22;
	s25 =	sshrl.u32 s25, $0x3  }
0x2c: {  	s26 =	rddreg [dreg:$0xb];
	s22 =	sshrl.u32 s22, $0x3;
	s23 =	sadd.s32 s24, s25  }
0x2d: {  	[tilespmem:s9], [sflag:$0x7] =	stream.strided.gather [hbm4b:s23+s5], $0x400, s6, s5, $0x38;
	[tilespmem:$0x1E580] =	vst v63  }
0x2e: {  	s28 =	rddreg [dreg:$0xc];
	s21 =	sshll.u32 s31, $0xE;
	s29 =	sadd.s32 s26, s22  }
0x2f: {  	[tilespmem:s7], [sflag:$0x7] =	stream.linear.gather [hbm4b:s29+s2], $0x80, $0x38;
	[tilespmem:$0x1E580] =	vst v63  }
0x30: {  	s21 =	sand.u32 $0x1FFFC000, s21;
	s22 =	sadd.s32 s28, s22  }
0x31: {  	[tilespmem:s8], [sflag:$0x7] =	stream.linear.gather [hbm4b:s22+s2], $0x80, $0x38;
	[tilespmem:$0x1E580] =	vst v63  }
0x32: {  	s30 =	rddreg [dreg:$0xd];
	s31 =	sadd.s32 s3, s21  }
0x33: {  	[tilespmem:s5], [sflag:$0x1] =	stream.linear.gather [hbm4b:s31+s2], $0x10000, $0x38;
	[tilespmem:$0x1E580] =	vst v63  }
0x34: {  	s24 =	sadd.s32 s21, s30  }
0x35: {  	[tilespmem:s16], [sflag:$0x2] =	stream.linear.gather [hbm4b:s24+s2], $0xE000, $0x38;
	[tilespmem:$0x1E580] =	vst v63  }
0x36: {  	_ =	swait.ge [sflag:s18], $0x10000  }
0x37: {  	[sflag:s18] =	ssyncset.done $0x0  }
0x38: {  	[sflag:s18] =	ssyncadd.s32 $0xFFFF0000  }
0x39: {  	[hbm4b:s12+s2] =	stream.linear.scatter [tilespmem:s5], [sflag:$0x4], $0x10000, $0x38;
	[tilespmem:$0x1E580] =	vst v63  }
0x3a: {  	_ =	swait.ge [sflag:s17], $0xE000  }
0x3b: {  	[sflag:s17] =	ssyncset.done $0x0  }
0x3c: {  	s25 =	rddreg [dreg:$0xe];
	[sflag:s17] =	ssyncadd.s32 $0xFFFF2000  }
0x3d: {  	[hbm4b:s25+s2] =	stream.linear.scatter [tilespmem:s16], [sflag:$0x5], $0xE000, $0x38;
	[tilespmem:$0x1E580] =	vst v63  }
0x3e: {  	_ =	swait.ge [sflag:s15], $0x10000  }
0x3f: {  	s26 =	rddreg [dreg:$0xf];
	[sflag:s15] =	ssyncset.done $0x0  }
0x40: {  	[sflag:s15] =	ssyncadd.s32 $0xFFFF0000;
	s21 =	sadd.s32 s21, s26  }
0x41: {  	[tilespmem:s5], [sflag:$0x3] =	stream.linear.gather [hbm4b:s21+s2], $0x2000, $0x38;
	[tilespmem:$0x1E580] =	vst v63  }
0x42: {  	_ =	swait.ge [sflag:s14], $0x2000  }
0x43: {  	[sflag:s14] =	ssyncset.done $0x0  }
0x44: {  	s28 =	rddreg [dreg:$0x10];
	[sflag:s14] =	ssyncadd.s32 $0xFFFFE000  }
0x45: {  	[hbm4b:s28+s2] =	stream.linear.scatter [tilespmem:s5], [sflag:$0x6], $0x2000, $0x38;
	[tilespmem:$0x1E580] =	vst v63  }
0x46: {  	_ =	swait.ge [sflag:s13], $0x400  }
0x47: {  	[sflag:s13] =	ssyncset.done $0x0  }
0x48: {  	[sflag:s13] =	ssyncadd.s32 $0xFFFFFC00  }
0x49: {  	_ =	swait.ge [sflag:s13], $0x80  }
0x4a: {  	[sflag:s13] =	ssyncset.done $0x0  }
0x4b: {  	[sflag:s13] =	ssyncadd.s32 $0xFFFFFF80  }
0x4c: {  	_ =	swait.ge [sflag:s13], $0x80  }
0x4d: {  	[sflag:s13] =	ssyncset.done $0x0  }
0x4e: {  	s29 =	rddreg [dreg:$0x11];
	[sflag:s13] =	ssyncadd.s32 $0xFFFFFF80  }
0x4f: {  	[hbm4b:s29+s5] =	stream.strided.scatter [tilespmem:s9], [sflag:$0x8], $0x400, s6, s5, $0x38;
	[tilespmem:$0x1E580] =	vst v63  }
0x50: {  	s30 =	rddreg [dreg:$0x12]  }
0x51: {  	[hbm4b:s30+s2] =	stream.linear.scatter [tilespmem:s7], [sflag:$0x8], $0x80, $0x38;
	[tilespmem:$0x1E580] =	vst v63  }
0x52: {  	s31 =	rddreg [dreg:$0x13]  }
0x53: {  	[hbm4b:s31+s2] =	stream.linear.scatter [tilespmem:s8], [sflag:$0x8], $0x80, $0x38;
	[tilespmem:$0x1E580] =	vst v63  }
0x54: {  	_ =	swait.ge [sflag:s11], $0xE000  }
0x55: {  	[sflag:s11] =	ssyncset.done $0x0  }
0x56: {  	[sflag:s11] =	ssyncadd.s32 $0xFFFF2000  }
0x57: {  	_ =	swait.ge [sflag:s10], $0x2000  }
0x58: {  	[sflag:s10] =	ssyncset.done $0x0  }
0x59: {  	[sflag:s10] =	ssyncadd.s32 $0xFFFFE000  }
0x5a: {  	_ =	swait.ge [sflag:s4], $0x400  }
0x5b: {  	[sflag:s4] =	ssyncset.done $0x0  }
0x5c: {  	p1 =	sne.s32 s20, $0x1;
	[sflag:s4] =	ssyncadd.s32 $0xFFFFFC00  }
.Ltmp1:
0x5d: {  	_ =	swait.ge [sflag:s4], $0x80;
	(pc) =	sbr.rel @!p1 .LBB2_3-.Ltmp1, $4  }
0x5e: {  	[sflag:s4] =	ssyncset.done $0x0  }
0x5f: {  	[sflag:s4] =	ssyncadd.s32 $0xFFFFFF80  }
0x60: {  	s20 =	sadd.s32 $0xFFFFFFFF, s20;
	_ =	swait.ge [sflag:s4], $0x80  }
0x61: {  	p0 =	por $0x1, $0x1;
	s21 =	rddreg [dreg:$0x9];
	[sflag:s4] =	ssyncset.done $0x0  }
.LBB2_2:
0x62: {  	[sflag:s4] =	ssyncadd.s32 $0xFFFFFF80  }
0x63: {  	[tilespmem:s2], [sflag:$0x9] =	stream.linear.gather [hbm4b:s21+s2], $0x80, $0x38;
	[tilespmem:$0x1E580] =	vst v63  }
0x64: {  	_ =	swait.ge [sflag:s19], $0x80  }
0x65: {  	[sflag:s19] =	ssyncset.done $0x0  }
0x66: {  	[sflag:s19] =	ssyncadd.s32 $0xFFFFFF80  }
0x67: {  	v1 =	vld.idx.msk [tilespmem:v0+s2+$0x0], $0xffff;
	_ =	sdelay $0x4  }
0x68: {  	v1 =	vxor.u32 $0x80000000, v1  }
0x69: {  	(xrf0) =	vmax.scan.msk.u32 $0xffff, v1;
	_ =	sdelay $0x5  }
0x6a: {  	v1, _, _ =	vpop (xrf0)  }
0x6b: {  	(v2sf) =	vpush v1, $0xF;
	_ =	sdelay $0xe  }
0x6c: {  	s22 =	spop (v2sf)  }
0x6d: {  	s23 =	sshrl.u32 s22, $0x3;
	s24 =	sshll.u32 s22, $0x7  }
0x6e: {  	s25 =	sshll.u32 s23, $0xD;
	s24 =	sand.u32 $0x380, s24  }
0x6f: {  	s23 =	sshll.u32 s23, $0xA;
	s25 =	sor.u32 s24, s25  }
0x70: {  	s29 =	rddreg [dreg:$0xa];
	s23 =	sor.u32 s24, s23;
	s30 =	sshrl.u32 s25, $0x3  }
0x71: {  	s31 =	rddreg [dreg:$0xb];
	s23 =	sshrl.u32 s23, $0x3;
	s21 =	sadd.s32 s29, s30  }
0x72: {  	[tilespmem:s9], [sflag:$0x7] =	stream.strided.gather [hbm4b:s21+s5], $0x400, s6, s5, $0x38;
	[tilespmem:$0x1E580] =	vst v63  }
0x73: {  	s26 =	rddreg [dreg:$0xc];
	s22 =	sshll.u32 s22, $0xE;
	s28 =	sadd.s32 s31, s23  }
0x74: {  	[tilespmem:s7], [sflag:$0x7] =	stream.linear.gather [hbm4b:s28+s2], $0x80, $0x38;
	[tilespmem:$0x1E580] =	vst v63  }
0x75: {  	s22 =	sand.u32 $0x1FFFC000, s22;
	s29 =	sadd.s32 s26, s23  }
0x76: {  	[tilespmem:s8], [sflag:$0x7] =	stream.linear.gather [hbm4b:s29+s2], $0x80, $0x38;
	[tilespmem:$0x1E580] =	vst v63  }
0x77: {  	s30 =	rddreg [dreg:$0xd];
	s31 =	sadd.s32 s3, s22  }
0x78: {  	[tilespmem:s5], [sflag:$0x1] =	stream.linear.gather [hbm4b:s31+s2], $0x10000, $0x38;
	[tilespmem:$0x1E580] =	vst v63  }
0x79: {  	s24 =	sadd.s32 s22, s30  }
0x7a: {  	[tilespmem:s16], [sflag:$0x2] =	stream.linear.gather [hbm4b:s24+s2], $0xE000, $0x38;
	[tilespmem:$0x1E580] =	vst v63  }
0x7b: {  	_ =	swait.ge [sflag:s18], $0x10000  }
0x7c: {  	[sflag:s18] =	ssyncset.done $0x0  }
0x7d: {  	[sflag:s18] =	ssyncadd.s32 $0xFFFF0000  }
0x7e: {  	[hbm4b:s12+s2] =	stream.linear.scatter [tilespmem:s5], [sflag:$0x4], $0x10000, $0x38;
	[tilespmem:$0x1E580] =	vst v63  }
0x7f: {  	_ =	swait.ge [sflag:s17], $0xE000  }
0x80: {  	[sflag:s17] =	ssyncset.done $0x0  }
0x81: {  	s25 =	rddreg [dreg:$0xe];
	[sflag:s17] =	ssyncadd.s32 $0xFFFF2000  }
0x82: {  	[hbm4b:s25+s2] =	stream.linear.scatter [tilespmem:s16], [sflag:$0x5], $0xE000, $0x38;
	[tilespmem:$0x1E580] =	vst v63  }
0x83: {  	_ =	swait.ge [sflag:s15], $0x10000  }
0x84: {  	s26 =	rddreg [dreg:$0xf];
	[sflag:s15] =	ssyncset.done $0x0  }
0x85: {  	[sflag:s15] =	ssyncadd.s32 $0xFFFF0000;
	s21 =	sadd.s32 s22, s26  }
0x86: {  	[tilespmem:s5], [sflag:$0x3] =	stream.linear.gather [hbm4b:s21+s2], $0x2000, $0x38;
	[tilespmem:$0x1E580] =	vst v63  }
0x87: {  	_ =	swait.ge [sflag:s14], $0x2000  }
0x88: {  	[sflag:s14] =	ssyncset.done $0x0  }
0x89: {  	s28 =	rddreg [dreg:$0x10];
	[sflag:s14] =	ssyncadd.s32 $0xFFFFE000  }
0x8a: {  	[hbm4b:s28+s2] =	stream.linear.scatter [tilespmem:s5], [sflag:$0x6], $0x2000, $0x38;
	[tilespmem:$0x1E580] =	vst v63  }
0x8b: {  	_ =	swait.ge [sflag:s13], $0x400  }
0x8c: {  	[sflag:s13] =	ssyncset.done $0x0  }
0x8d: {  	[sflag:s13] =	ssyncadd.s32 $0xFFFFFC00  }
0x8e: {  	_ =	swait.ge [sflag:s13], $0x80  }
0x8f: {  	[sflag:s13] =	ssyncset.done $0x0  }
0x90: {  	[sflag:s13] =	ssyncadd.s32 $0xFFFFFF80  }
0x91: {  	_ =	swait.ge [sflag:s13], $0x80  }
0x92: {  	[sflag:s13] =	ssyncset.done $0x0  }
0x93: {  	s29 =	rddreg [dreg:$0x11];
	[sflag:s13] =	ssyncadd.s32 $0xFFFFFF80  }
0x94: {  	[hbm4b:s29+s5] =	stream.strided.scatter [tilespmem:s9], [sflag:$0x8], $0x400, s6, s5, $0x38;
	[tilespmem:$0x1E580] =	vst v63  }
0x95: {  	s30 =	rddreg [dreg:$0x12]  }
0x96: {  	[hbm4b:s30+s2] =	stream.linear.scatter [tilespmem:s7], [sflag:$0x8], $0x80, $0x38;
	[tilespmem:$0x1E580] =	vst v63  }
0x97: {  	s31 =	rddreg [dreg:$0x13]  }
0x98: {  	[hbm4b:s31+s2] =	stream.linear.scatter [tilespmem:s8], [sflag:$0x8], $0x80, $0x38;
	[tilespmem:$0x1E580] =	vst v63  }
0x99: {  	_ =	swait.ge [sflag:s11], $0xE000  }
0x9a: {  	[sflag:s11] =	ssyncset.done $0x0  }
0x9b: {  	[sflag:s11] =	ssyncadd.s32 $0xFFFF2000  }
0x9c: {  	_ =	swait.ge [sflag:s10], $0x2000  }
0x9d: {  	[sflag:s10] =	ssyncset.done $0x0  }
0x9e: {  	[sflag:s10] =	ssyncadd.s32 $0xFFFFE000  }
0x9f: {  	_ =	swait.ge [sflag:s4], $0x400  }
0xa0: {  	[sflag:s4] =	ssyncset.done $0x0  }
0xa1: {  	p1 =	sne.s32 s20, $0x1;
	[sflag:s4] =	ssyncadd.s32 $0xFFFFFC00  }
.Ltmp2:
0xa2: {  	_ =	swait.ge [sflag:s4], $0x80;
	(pc) =	sbr.rel @p1 .LBB2_2-.Ltmp2, $4  }
0xa3: {  	[sflag:s4] =	ssyncset.done $0x0  }
0xa4: {  	[sflag:s4] =	ssyncadd.s32 $0xFFFFFF80  }
0xa5: {  	_ =	swait.ge [sflag:s4], $0x80  }
0xa6: {  	s20 =	sadd.s32 $0xFFFFFFFF, s20;
	s21 =	rddreg [dreg:$0x9];
	[sflag:s4] =	ssyncset.done $0x0  }
.LBB2_3:
0xa7: {  	[sflag:s4] =	ssyncadd.s32 @p0 $0xFFFFFF80  }
0xa8: {  	[tilespmem:s2], [sflag:$0x9] =	stream.linear.gather [hbm4b:s21+s2], $0x80, $0x38;
	[tilespmem:$0x1E580] =	vst v63  }
0xa9: {  	_ =	swait.ge [sflag:s19], $0x80  }
0xaa: {  	[sflag:s19] =	ssyncset.done $0x0  }
0xab: {  	[sflag:s19] =	ssyncadd.s32 $0xFFFFFF80  }
0xac: {  	v0 =	vld.idx.msk [tilespmem:v0+s2+$0x0], $0xffff;
	_ =	sdelay $0x4  }
0xad: {  	v0 =	vxor.u32 $0x80000000, v0  }
0xae: {  	(xrf0) =	vmax.scan.msk.u32 $0xffff, v0;
	_ =	sdelay $0x5  }
0xaf: {  	v0, _, _ =	vpop (xrf0)  }
0xb0: {  	(v2sf) =	vpush v0, $0xF;
	_ =	sdelay $0xe  }
0xb1: {  	s25 =	spop (v2sf)  }
0xb2: {  	s20 =	sshrl.u32 s25, $0x3;
	s26 =	sshll.u32 s25, $0x7  }
0xb3: {  	s23 =	sshll.u32 s20, $0xD;
	s21 =	sand.u32 $0x380, s26  }
0xb4: {  	s20 =	sshll.u32 s20, $0xA;
	s23 =	sor.u32 s21, s23  }
0xb5: {  	s22 =	rddreg [dreg:$0xa];
	s20 =	sor.u32 s21, s20;
	s28 =	sshrl.u32 s23, $0x3  }
0xb6: {  	s29 =	rddreg [dreg:$0xb];
	s20 =	sshrl.u32 s20, $0x3;
	s21 =	sadd.s32 s22, s28  }
0xb7: {  	[tilespmem:s9], [sflag:$0x7] =	stream.strided.gather [hbm4b:s21+s5], $0x400, s6, s5, $0x38;
	[tilespmem:$0x1E580] =	vst v63  }
0xb8: {  	s30 =	rddreg [dreg:$0xc];
	s19 =	sshll.u32 s25, $0xE;
	s31 =	sadd.s32 s29, s20  }
0xb9: {  	[tilespmem:s7], [sflag:$0x7] =	stream.linear.gather [hbm4b:s31+s2], $0x80, $0x38;
	[tilespmem:$0x1E580] =	vst v63  }
0xba: {  	s19 =	sand.u32 $0x1FFFC000, s19;
	s20 =	sadd.s32 s30, s20  }
0xbb: {  	[tilespmem:s8], [sflag:$0x7] =	stream.linear.gather [hbm4b:s20+s2], $0x80, $0x38;
	[tilespmem:$0x1E580] =	vst v63  }
0xbc: {  	s3 =	sadd.s32 s3, s19;
	s23 =	rddreg [dreg:$0xd]  }
0xbd: {  	[tilespmem:s5], [sflag:$0x1] =	stream.linear.gather [hbm4b:s3+s2], $0x10000, $0x38;
	[tilespmem:$0x1E580] =	vst v63  }
0xbe: {  	s24 =	sadd.s32 s19, s23  }
0xbf: {  	[tilespmem:s16], [sflag:$0x2] =	stream.linear.gather [hbm4b:s24+s2], $0xE000, $0x38;
	[tilespmem:$0x1E580] =	vst v63  }
0xc0: {  	_ =	swait.ge [sflag:s18], $0x10000  }
0xc1: {  	[sflag:s18] =	ssyncset.done $0x0  }
0xc2: {  	[sflag:s18] =	ssyncadd.s32 $0xFFFF0000  }
0xc3: {  	[hbm4b:s12+s2] =	stream.linear.scatter [tilespmem:s5], [sflag:$0x4], $0x10000, $0x38;
	[tilespmem:$0x1E580] =	vst v63  }
0xc4: {  	_ =	swait.ge [sflag:s17], $0xE000  }
0xc5: {  	[sflag:s17] =	ssyncset.done $0x0  }
0xc6: {  	s25 =	rddreg [dreg:$0xe];
	[sflag:s17] =	ssyncadd.s32 $0xFFFF2000  }
0xc7: {  	[hbm4b:s25+s2] =	stream.linear.scatter [tilespmem:s16], [sflag:$0x5], $0xE000, $0x38;
	[tilespmem:$0x1E580] =	vst v63  }
0xc8: {  	_ =	swait.ge [sflag:s15], $0x10000  }
0xc9: {  	s26 =	rddreg [dreg:$0xf];
	[sflag:s15] =	ssyncset.done $0x0  }
0xca: {  	[sflag:s15] =	ssyncadd.s32 $0xFFFF0000;
	s3 =	sadd.s32 s19, s26  }
0xcb: {  	[tilespmem:s5], [sflag:$0x3] =	stream.linear.gather [hbm4b:s3+s2], $0x2000, $0x38;
	[tilespmem:$0x1E580] =	vst v63  }
0xcc: {  	_ =	swait.ge [sflag:s14], $0x2000  }
0xcd: {  	[sflag:s14] =	ssyncset.done $0x0  }
0xce: {  	s28 =	rddreg [dreg:$0x10];
	[sflag:s14] =	ssyncadd.s32 $0xFFFFE000  }
0xcf: {  	[hbm4b:s28+s2] =	stream.linear.scatter [tilespmem:s5], [sflag:$0x6], $0x2000, $0x38;
	[tilespmem:$0x1E580] =	vst v63  }
0xd0: {  	_ =	swait.ge [sflag:s13], $0x400  }
0xd1: {  	[sflag:s13] =	ssyncset.done $0x0  }
0xd2: {  	[sflag:s13] =	ssyncadd.s32 $0xFFFFFC00  }
0xd3: {  	_ =	swait.ge [sflag:s13], $0x80  }
0xd4: {  	[sflag:s13] =	ssyncset.done $0x0  }
0xd5: {  	[sflag:s13] =	ssyncadd.s32 $0xFFFFFF80  }
0xd6: {  	_ =	swait.ge [sflag:s13], $0x80  }
0xd7: {  	[sflag:s13] =	ssyncset.done $0x0  }
0xd8: {  	s29 =	rddreg [dreg:$0x11];
	[sflag:s13] =	ssyncadd.s32 $0xFFFFFF80  }
0xd9: {  	[hbm4b:s29+s5] =	stream.strided.scatter [tilespmem:s9], [sflag:$0x8], $0x400, s6, s5, $0x38;
	[tilespmem:$0x1E580] =	vst v63  }
0xda: {  	s30 =	rddreg [dreg:$0x12]  }
0xdb: {  	[hbm4b:s30+s2] =	stream.linear.scatter [tilespmem:s7], [sflag:$0x8], $0x80, $0x38;
	[tilespmem:$0x1E580] =	vst v63  }
0xdc: {  	s31 =	rddreg [dreg:$0x13]  }
0xdd: {  	[hbm4b:s31+s2] =	stream.linear.scatter [tilespmem:s8], [sflag:$0x8], $0x80, $0x38;
	[tilespmem:$0x1E580] =	vst v63  }
0xde: {  	_ =	swait.ge [sflag:s11], $0xE000  }
0xdf: {  	[sflag:s11] =	ssyncset.done $0x0  }
0xe0: {  	[sflag:s11] =	ssyncadd.s32 $0xFFFF2000  }
0xe1: {  	_ =	swait.ge [sflag:s10], $0x2000  }
0xe2: {  	[sflag:s10] =	ssyncset.done $0x0  }
0xe3: {  	[sflag:s10] =	ssyncadd.s32 $0xFFFFE000  }
0xe4: {  	_ =	swait.ge [sflag:s4], $0x400  }
0xe5: {  	[sflag:s4] =	ssyncset.done $0x0  }
0xe6: {  	[sflag:s4] =	ssyncadd.s32 $0xFFFFFC00  }
0xe7: {  	_ =	swait.ge [sflag:s4], $0x80  }
0xe8: {  	[sflag:s4] =	ssyncset.done $0x0  }
0xe9: {  	[sflag:s4] =	ssyncadd.s32 $0xFFFFFF80  }
0xea: {  	_ =	swait.ge [sflag:s4], $0x80  }
0xeb: {  	[sflag:s4] =	ssyncset.done $0x0  }
0xec: {  	[sflag:s4] =	ssyncadd.s32 $0xFFFFFF80  }
0xed: {  	_ =	sfence.sel $0x180000  }
0xee: {  	[bflag:$0x0] =	sbarrier.arrive $0xFFFF  }
0xef: {  	p0 =	sne.s32 s0, $0x0;
	_ =	strace $0x90000047  }
0xf0: {  	s0 =	sadd.s32 @!p0 $0x100000, s1;
	[bflag:$0x2] =	sbarrier.arrive $0xFFFF  }
0xf1: {  	[sflag:s0] =	ssyncadd.tile.s32 @!p0 $0x1;
	_ =	shalt  }
.Lfunc_end2:
_tile_overlayer_lowered:
.L_overlay_start_2:
0xf2: {  	(tag) =	ssettag $0x2  }
0xf3: {  	s0 =	rddreg [dreg:$0x0];
	s2 =	stileid.u32  }
0xf4: {  	s1 =	rddreg [dreg:$0x1];
	p0 =	sne.s32 s2, $0x0  }
0xf5: {  	s3 =	rddreg [dreg:$0x2];
	[bflag:$0x3] =	sbarrier.arrive $0xFFFF;
	s2 =	simm.s32 @!p0 $0x1C09  }
0xf6: {  	[timem:s3], [sflag:s2] =	dma.local @!p0 [hbm:s0], s1  }
0xf7: {  	s0 =	simm.s32 @!p0 $0x9  }
0xf8: {  	_ =	swait.ge @!p0 [sflag:s0], s1  }
0xf9: {  	s1 =	ssub.s32 @!p0 $0x0, s1;
	[sflag:s0] =	ssyncset.done @!p0 $0x0  }
0xfa: {  	[sflag:s0] =	ssyncadd.s32 @!p0 s1  }
0xfb: {  	[bflag:$0x3] =	sbarrier.arrive $0xFFFF  }
0xfc: {  	_ =	shalt  }

</sc_bundles>
